<compile_context>
chip_gen: v7x
topology: tpu7x:2x2x1
jax: 0.10.2.dev20260603
libtpu: 0.0.44.dev20260713+nightly
codegen_flags: <defaults>
</compile_context>

<pallas_src>
import functools

import jax
import jax.numpy as jnp
from jax import lax
from jax.experimental import pallas as pl
from jax.experimental.pallas import tpu as pltpu
from jax.experimental.pallas import tpu_sc as plsc

B, S, D = 4, 2048, 768
NUM_SPANS = 1024
NUM_WIDTH = 64
WIDTH_DIM = 128
OUT_D = 2 * D + WIDTH_DIM
TOTAL = B * NUM_SPANS

NC, NS, L = 2, 16, 16
NW = NC * NS
SPW = TOTAL // NW
CH = 64


def _body(seq_hbm, starts_hbm, ends_hbm, wt_hbm, out_hbm,
          sidx_v, eidx_v, widx_v, srow_v, erow_v, wrow_v, sem):
    wid = lax.axis_index("s") * NC + lax.axis_index("c")
    base = wid * SPW
    boff = (base // NUM_SPANS) * S
    for c in range(SPW // CH):
        cb = base + c * CH
        pltpu.sync_copy(starts_hbm.at[pl.ds(cb, CH)], sidx_v)
        pltpu.sync_copy(ends_hbm.at[pl.ds(cb, CH)], eidx_v)
        for i in range(CH // L):
            sl = pl.ds(i * L, L)
            s16 = sidx_v[sl]
            e16 = eidx_v[sl]
            widx_v[sl] = jnp.minimum(jnp.maximum(e16 - s16, 0), NUM_WIDTH - 1)
            sidx_v[sl] = s16 + boff
            eidx_v[sl] = e16 + boff
        g1 = pltpu.async_copy(seq_hbm.at[sidx_v], srow_v, sem)
        g2 = pltpu.async_copy(seq_hbm.at[eidx_v], erow_v, sem)
        g3 = pltpu.async_copy(wt_hbm.at[widx_v], wrow_v, sem)
        g1.wait()
        g2.wait()
        g3.wait()
        w1 = pltpu.async_copy(srow_v, out_hbm.at[pl.ds(cb, CH), pl.ds(0, D)], sem)
        w2 = pltpu.async_copy(erow_v, out_hbm.at[pl.ds(cb, CH), pl.ds(D, D)], sem)
        w3 = pltpu.async_copy(wrow_v, out_hbm.at[pl.ds(cb, CH), pl.ds(2 * D, WIDTH_DIM)], sem)
        w1.wait()
        w2.wait()
        w3.wait()


_sc_extract = functools.partial(
    pl.kernel,
    out_type=jax.ShapeDtypeStruct((TOTAL, OUT_D), jnp.float32),
    mesh=plsc.VectorSubcoreMesh(core_axis_name="c", subcore_axis_name="s"),
    scratch_types=[
        pltpu.VMEM((CH,), jnp.int32),
        pltpu.VMEM((CH,), jnp.int32),
        pltpu.VMEM((CH,), jnp.int32),
        pltpu.VMEM((CH, D), jnp.float32),
        pltpu.VMEM((CH, D), jnp.float32),
        pltpu.VMEM((CH, WIDTH_DIM), jnp.float32),
        pltpu.SemaphoreType.DMA,
    ],
)(_body)


def kernel(sequence_tensor, span_indices, width_table):
    seq = sequence_tensor.reshape(B * S, D)
    si = span_indices.astype(jnp.int32)
    starts = si[:, :, 0].reshape(TOTAL)
    ends = si[:, :, 1].reshape(TOTAL)
    out = _sc_extract(seq, starts, ends, width_table)
    return out.reshape(B, NUM_SPANS, OUT_D)

# --- scband reference (transcript-rebuilt; emitter-appended) ---
"""Pipeline reference for scband-endpoint-span-extractor-38087769981167 (READ-ONLY COPY).

The authoritative reference and input builder live on the scoring server;
editing this copy changes nothing except your own understanding.
"""

import jax, jax.numpy as jnp
import numpy as np

B, S, D = 4, 2048, 768
NUM_SPANS = 1024
NUM_WIDTH = 64
WIDTH_DIM = 128

def setup_inputs(seed: int = 0) -> dict:
    key = jax.random.key(seed)
    k1, k2, k3 = jax.random.split(key, 3)
    sequence_tensor = jax.random.normal(k1, (B, S, D), dtype=jnp.float32)
    span_indices = jax.random.randint(k2, (B, NUM_SPANS, 2), 0, S, dtype=jnp.int64)
    width_table = jax.random.normal(k3, (NUM_WIDTH, WIDTH_DIM), dtype=jnp.float32) * 0.02
    return {"sequence_tensor": sequence_tensor, "span_indices": span_indices, "width_table": width_table}

def reference(sequence_tensor, span_indices, width_table):
    span_starts = span_indices[:, :, 0]
    span_ends = span_indices[:, :, 1]
    # gather endpoint embeddings: (B, num_spans, D)
    start_embeddings = jnp.take_along_axis(sequence_tensor, span_starts[:, :, None], axis=1)
    end_embeddings = jnp.take_along_axis(sequence_tensor, span_ends[:, :, None], axis=1)
    combined = [start_embeddings, end_embeddings]  # combination='x,y'
    span_widths = span_ends - span_starts
    span_widths = jnp.clip(span_widths, 0, NUM_WIDTH - 1)
    width_embeddings = jnp.take(width_table, span_widths, axis=0)
    combined.append(width_embeddings)
    return jnp.concatenate(combined, axis=-1)

if __name__ == "__main__":
    import jax
    _d = setup_inputs()
    print(jax.jit(kernel)(*tuple(_d.values())))

</pallas_src>

<mosaic_0001>
#map = affine_map<(d0, d1) -> (0, 0)>
#map1 = affine_map<(d0, d1) -> (0)>
module attributes {stable_mosaic.version = 14 : i64} {
  func.func @_body(%arg0: i32, %arg1: i32, %arg2: memref<8192x768xf32, #tpu.memory_space<hbm>>, %arg3: memref<4096xi32, #tpu.memory_space<hbm>>, %arg4: memref<4096xi32, #tpu.memory_space<hbm>>, %arg5: memref<64x128xf32, #tpu.memory_space<hbm>>, %arg6: memref<4096x1664xf32, #tpu.memory_space<hbm>>, %arg7: memref<64xi32, #tpu.memory_space<vmem>>, %arg8: memref<64xi32, #tpu.memory_space<vmem>>, %arg9: memref<64xi32, #tpu.memory_space<vmem>>, %arg10: memref<64x768xf32, #tpu.memory_space<vmem>>, %arg11: memref<64x768xf32, #tpu.memory_space<vmem>>, %arg12: memref<64x128xf32, #tpu.memory_space<vmem>>, %arg13: memref<!tpu.dma_semaphore, #tpu.memory_space<semaphore_mem>>) attributes {dimension_semantics = [#tpu.dimension_semantics<core_parallel>, #tpu.dimension_semantics<subcore_parallel>], iteration_bounds = array<i64: 2, 16>, scalar_prefetch = 0 : i64, scratch_operands = 7 : i64, tpu.core_type = #tpu.core_type<sc_vector_subcore>, window_params = [{transform_indices = #map}, {transform_indices = #map1}, {transform_indices = #map1}, {transform_indices = #map}, {transform_indices = #map}]} {
    %mul3A = arith.constant 2 : i32
    %mul3A_0 = arith.muli %arg1, %mul3A : i32
    %add3A = arith.addi %mul3A_0, %arg0 : i32
    %mul3A_1 = arith.constant 128 : i32
    %mul3A_2 = arith.muli %add3A, %mul3A_1 : i32
    %jit3A = arith.constant 1024 : i32
    %div3A = arith.divsi %mul3A_2, %jit3A : i32
    %sign3A = arith.constant 0 : i32
    %sign3A_3 = arith.cmpi sgt, %mul3A_2, %sign3A : i32
    %sign3A_4 = arith.extui %sign3A_3 : i1 to i32
    %sign3A_5 = arith.constant 0 : i32
    %sign3A_6 = arith.cmpi slt, %mul3A_2, %sign3A_5 : i32
    %sign3A_7 = arith.extui %sign3A_6 : i1 to i32
    %sign3A_8 = arith.subi %sign3A_4, %sign3A_7 : i32
    %sign3A_9 = arith.constant 0 : i32
    %sign3A_10 = arith.cmpi sgt, %jit3A, %sign3A_9 : i32
    %sign3A_11 = arith.extui %sign3A_10 : i1 to i32
    %sign3A_12 = arith.constant 0 : i32
    %sign3A_13 = arith.cmpi slt, %jit3A, %sign3A_12 : i32
    %sign3A_14 = arith.extui %sign3A_13 : i1 to i32
    %sign3A_15 = arith.subi %sign3A_11, %sign3A_14 : i32
    %ne3A = arith.cmpi ne, %sign3A_8, %sign3A_15 : i32
    %rem3A = arith.remsi %mul3A_2, %jit3A : i32
    %ne3A_16 = arith.constant 0 : i32
    %ne3A_17 = arith.cmpi ne, %rem3A, %ne3A_16 : i32
    %and3A = arith.andi %ne3A, %ne3A_17 : i1
    %sub3A = arith.constant 1 : i32
    %sub3A_18 = arith.subi %div3A, %sub3A : i32
    %select_n3A = arith.select %and3A, %sub3A_18, %div3A : i32
    %mul3A_19 = arith.constant 2048 : i32
    %mul3A_20 = arith.muli %select_n3A, %mul3A_19 : i32
    %add3A_21 = arith.constant 0 : i32
    %add3A_22 = arith.addi %mul3A_2, %add3A_21 : i32
    "tpu.region"() ({
      %run_scoped3A = tpu.sem_alloc : memref<!tpu.dma_semaphore, #tpu.memory_space<semaphore_mem>>
      %dma_start3A_335 = tpu.memref_slice %arg3[%add3A_22] : memref<4096xi32, #tpu.memory_space<hbm>> -> memref<64xi32, #tpu.memory_space<hbm>>
      %dma_start3A_336 = tpu.memref_slice %arg3[%add3A_22] : memref<4096xi32, #tpu.memory_space<hbm>> -> memref<64xi32, #tpu.memory_space<hbm>>
      tpu.enqueue_dma source(%dma_start3A_336 : memref<64xi32, #tpu.memory_space<hbm>>) target(%arg7 : memref<64xi32, #tpu.memory_space<vmem>>) target_semaphore(%run_scoped3A : memref<!tpu.dma_semaphore, #tpu.memory_space<semaphore_mem>>)
      %dma_wait3A_337 = tpu.memref_slice %arg3[%add3A_22] : memref<4096xi32, #tpu.memory_space<hbm>> -> memref<64xi32, #tpu.memory_space<hbm>>
      %dma_wait3A_338 = tpu.memref_slice %arg3[%add3A_22] : memref<4096xi32, #tpu.memory_space<hbm>> -> memref<64xi32, #tpu.memory_space<hbm>>
      tpu.wait_dma2 semaphore(%run_scoped3A : memref<!tpu.dma_semaphore, #tpu.memory_space<semaphore_mem>>) src(%dma_wait3A_338 : memref<64xi32, #tpu.memory_space<hbm>>) dst(%arg7 : memref<64xi32, #tpu.memory_space<vmem>>)
      tpu.yield
    }) : () -> ()
    "tpu.region"() ({
      %run_scoped3A = tpu.sem_alloc : memref<!tpu.dma_semaphore, #tpu.memory_space<semaphore_mem>>
      %dma_start3A_335 = tpu.memref_slice %arg4[%add3A_22] : memref<4096xi32, #tpu.memory_space<hbm>> -> memref<64xi32, #tpu.memory_space<hbm>>
      %dma_start3A_336 = tpu.memref_slice %arg4[%add3A_22] : memref<4096xi32, #tpu.memory_space<hbm>> -> memref<64xi32, #tpu.memory_space<hbm>>
      tpu.enqueue_dma source(%dma_start3A_336 : memref<64xi32, #tpu.memory_space<hbm>>) target(%arg8 : memref<64xi32, #tpu.memory_space<vmem>>) target_semaphore(%run_scoped3A : memref<!tpu.dma_semaphore, #tpu.memory_space<semaphore_mem>>)
      %dma_wait3A_337 = tpu.memref_slice %arg4[%add3A_22] : memref<4096xi32, #tpu.memory_space<hbm>> -> memref<64xi32, #tpu.memory_space<hbm>>
      %dma_wait3A_338 = tpu.memref_slice %arg4[%add3A_22] : memref<4096xi32, #tpu.memory_space<hbm>> -> memref<64xi32, #tpu.memory_space<hbm>>
      tpu.wait_dma2 semaphore(%run_scoped3A : memref<!tpu.dma_semaphore, #tpu.memory_space<semaphore_mem>>) src(%dma_wait3A_338 : memref<64xi32, #tpu.memory_space<hbm>>) dst(%arg8 : memref<64xi32, #tpu.memory_space<vmem>>)
      tpu.yield
    }) : () -> ()
    %get3A = arith.constant 0 : index
    %get3A_23 = tpu.vector_load %arg7[%get3A] {strides = array<i32>} : memref<64xi32, #tpu.memory_space<vmem>>, vector<16xi32>,
    %get3A_24 = vector.shape_cast %get3A_23 : vector<16xi32> to vector<16xi32>
    %get3A_25 = arith.constant 0 : index
    %get3A_26 = tpu.vector_load %arg8[%get3A_25] {strides = array<i32>} : memref<64xi32, #tpu.memory_space<vmem>>, vector<16xi32>,
    %get3A_27 = vector.shape_cast %get3A_26 : vector<16xi32> to vector<16xi32>
    %sub3A_28 = arith.subi %get3A_27, %get3A_24 : vector<16xi32>
    %max3A = arith.constant 0 : i32
    %max3A_29 = vector.broadcast %max3A : i32 to vector<16xi32>
    %max3A_30 = arith.maxsi %sub3A_28, %max3A_29 : vector<16xi32>
    %min3A = arith.constant 63 : i32
    %min3A_31 = vector.broadcast %min3A : i32 to vector<16xi32>
    %min3A_32 = arith.minsi %max3A_30, %min3A_31 : vector<16xi32>
    %swap3A = arith.constant 0 : index
    %swap3A_33 = tpu.vector_load %arg9[%swap3A] {strides = array<i32>} : memref<64xi32, #tpu.memory_space<vmem>>, vector<16xi32>,
    %swap3A_34 = vector.shape_cast %swap3A_33 : vector<16xi32> to vector<16xi32>
    %swap3A_35 = vector.shape_cast %min3A_32 : vector<16xi32> to vector<16xi32>
    tpu.vector_store %arg9[%swap3A], %swap3A_35 {strides = array<i32>} : memref<64xi32, #tpu.memory_space<vmem>>, vector<16xi32>,
    %add3A_36 = vector.broadcast %mul3A_20 : i32 to vector<16xi32>
    %add3A_37 = arith.addi %get3A_24, %add3A_36 : vector<16xi32>
    %swap3A_38 = arith.constant 0 : index
    %swap3A_39 = tpu.vector_load %arg7[%swap3A_38] {strides = array<i32>} : memref<64xi32, #tpu.memory_space<vmem>>, vector<16xi32>,
    %swap3A_40 = vector.shape_cast %swap3A_39 : vector<16xi32> to vector<16xi32>
    %swap3A_41 = vector.shape_cast %add3A_37 : vector<16xi32> to vector<16xi32>
    tpu.vector_store %arg7[%swap3A_38], %swap3A_41 {strides = array<i32>} : memref<64xi32, #tpu.memory_space<vmem>>, vector<16xi32>,
    %add3A_42 = vector.broadcast %mul3A_20 : i32 to vector<16xi32>
    %add3A_43 = arith.addi %get3A_27, %add3A_42 : vector<16xi32>
    %swap3A_44 = arith.constant 0 : index
    %swap3A_45 = tpu.vector_load %arg8[%swap3A_44] {strides = array<i32>} : memref<64xi32, #tpu.memory_space<vmem>>, vector<16xi32>,
    %swap3A_46 = vector.shape_cast %swap3A_45 : vector<16xi32> to vector<16xi32>
    %swap3A_47 = vector.shape_cast %add3A_43 : vector<16xi32> to vector<16xi32>
    tpu.vector_store %arg8[%swap3A_44], %swap3A_47 {strides = array<i32>} : memref<64xi32, #tpu.memory_space<vmem>>, vector<16xi32>,
    %get3A_48 = arith.constant 16 : index
    %get3A_49 = tpu.vector_load %arg7[%get3A_48] {strides = array<i32>} : memref<64xi32, #tpu.memory_space<vmem>>, vector<16xi32>,
    %get3A_50 = vector.shape_cast %get3A_49 : vector<16xi32> to vector<16xi32>
    %get3A_51 = arith.constant 16 : index
    %get3A_52 = tpu.vector_load %arg8[%get3A_51] {strides = array<i32>} : memref<64xi32, #tpu.memory_space<vmem>>, vector<16xi32>,
    %get3A_53 = vector.shape_cast %get3A_52 : vector<16xi32> to vector<16xi32>
    %sub3A_54 = arith.subi %get3A_53, %get3A_50 : vector<16xi32>
    %max3A_55 = arith.constant 0 : i32
    %max3A_56 = vector.broadcast %max3A_55 : i32 to vector<16xi32>
    %max3A_57 = arith.maxsi %sub3A_54, %max3A_56 : vector<16xi32>
    %min3A_58 = arith.constant 63 : i32
    %min3A_59 = vector.broadcast %min3A_58 : i32 to vector<16xi32>
    %min3A_60 = arith.minsi %max3A_57, %min3A_59 : vector<16xi32>
    %swap3A_61 = arith.constant 16 : index
    %swap3A_62 = tpu.vector_load %arg9[%swap3A_61] {strides = array<i32>} : memref<64xi32, #tpu.memory_space<vmem>>, vector<16xi32>,
    %swap3A_63 = vector.shape_cast %swap3A_62 : vector<16xi32> to vector<16xi32>
    %swap3A_64 = vector.shape_cast %min3A_60 : vector<16xi32> to vector<16xi32>
    tpu.vector_store %arg9[%swap3A_61], %swap3A_64 {strides = array<i32>} : memref<64xi32, #tpu.memory_space<vmem>>, vector<16xi32>,
    %add3A_65 = vector.broadcast %mul3A_20 : i32 to vector<16xi32>
    %add3A_66 = arith.addi %get3A_50, %add3A_65 : vector<16xi32>
    %swap3A_67 = arith.constant 16 : index
    %swap3A_68 = tpu.vector_load %arg7[%swap3A_67] {strides = array<i32>} : memref<64xi32, #tpu.memory_space<vmem>>, vector<16xi32>,
    %swap3A_69 = vector.shape_cast %swap3A_68 : vector<16xi32> to vector<16xi32>
    %swap3A_70 = vector.shape_cast %add3A_66 : vector<16xi32> to vector<16xi32>
    tpu.vector_store %arg7[%swap3A_67], %swap3A_70 {strides = array<i32>} : memref<64xi32, #tpu.memory_space<vmem>>, vector<16xi32>,
    %add3A_71 = vector.broadcast %mul3A_20 : i32 to vector<16xi32>
    %add3A_72 = arith.addi %get3A_53, %add3A_71 : vector<16xi32>
    %swap3A_73 = arith.constant 16 : index
    %swap3A_74 = tpu.vector_load %arg8[%swap3A_73] {strides = array<i32>} : memref<64xi32, #tpu.memory_space<vmem>>, vector<16xi32>,
    %swap3A_75 = vector.shape_cast %swap3A_74 : vector<16xi32> to vector<16xi32>
    %swap3A_76 = vector.shape_cast %add3A_72 : vector<16xi32> to vector<16xi32>
    tpu.vector_store %arg8[%swap3A_73], %swap3A_76 {strides = array<i32>} : memref<64xi32, #tpu.memory_space<vmem>>, vector<16xi32>,
    %get3A_77 = arith.constant 32 : index
    %get3A_78 = tpu.vector_load %arg7[%get3A_77] {strides = array<i32>} : memref<64xi32, #tpu.memory_space<vmem>>, vector<16xi32>,
    %get3A_79 = vector.shape_cast %get3A_78 : vector<16xi32> to vector<16xi32>
    %get3A_80 = arith.constant 32 : index
    %get3A_81 = tpu.vector_load %arg8[%get3A_80] {strides = array<i32>} : memref<64xi32, #tpu.memory_space<vmem>>, vector<16xi32>,
    %get3A_82 = vector.shape_cast %get3A_81 : vector<16xi32> to vector<16xi32>
    %sub3A_83 = arith.subi %get3A_82, %get3A_79 : vector<16xi32>
    %max3A_84 = arith.constant 0 : i32
    %max3A_85 = vector.broadcast %max3A_84 : i32 to vector<16xi32>
    %max3A_86 = arith.maxsi %sub3A_83, %max3A_85 : vector<16xi32>
    %min3A_87 = arith.constant 63 : i32
    %min3A_88 = vector.broadcast %min3A_87 : i32 to vector<16xi32>
    %min3A_89 = arith.minsi %max3A_86, %min3A_88 : vector<16xi32>
    %swap3A_90 = arith.constant 32 : index
    %swap3A_91 = tpu.vector_load %arg9[%swap3A_90] {strides = array<i32>} : memref<64xi32, #tpu.memory_space<vmem>>, vector<16xi32>,
    %swap3A_92 = vector.shape_cast %swap3A_91 : vector<16xi32> to vector<16xi32>
    %swap3A_93 = vector.shape_cast %min3A_89 : vector<16xi32> to vector<16xi32>
    tpu.vector_store %arg9[%swap3A_90], %swap3A_93 {strides = array<i32>} : memref<64xi32, #tpu.memory_space<vmem>>, vector<16xi32>,
    %add3A_94 = vector.broadcast %mul3A_20 : i32 to vector<16xi32>
    %add3A_95 = arith.addi %get3A_79, %add3A_94 : vector<16xi32>
    %swap3A_96 = arith.constant 32 : index
    %swap3A_97 = tpu.vector_load %arg7[%swap3A_96] {strides = array<i32>} : memref<64xi32, #tpu.memory_space<vmem>>, vector<16xi32>,
    %swap3A_98 = vector.shape_cast %swap3A_97 : vector<16xi32> to vector<16xi32>
    %swap3A_99 = vector.shape_cast %add3A_95 : vector<16xi32> to vector<16xi32>
    tpu.vector_store %arg7[%swap3A_96], %swap3A_99 {strides = array<i32>} : memref<64xi32, #tpu.memory_space<vmem>>, vector<16xi32>,
    %add3A_100 = vector.broadcast %mul3A_20 : i32 to vector<16xi32>
    %add3A_101 = arith.addi %get3A_82, %add3A_100 : vector<16xi32>
    %swap3A_102 = arith.constant 32 : index
    %swap3A_103 = tpu.vector_load %arg8[%swap3A_102] {strides = array<i32>} : memref<64xi32, #tpu.memory_space<vmem>>, vector<16xi32>,
    %swap3A_104 = vector.shape_cast %swap3A_103 : vector<16xi32> to vector<16xi32>
    %swap3A_105 = vector.shape_cast %add3A_101 : vector<16xi32> to vector<16xi32>
    tpu.vector_store %arg8[%swap3A_102], %swap3A_105 {strides = array<i32>} : memref<64xi32, #tpu.memory_space<vmem>>, vector<16xi32>,
    %get3A_106 = arith.constant 48 : index
    %get3A_107 = tpu.vector_load %arg7[%get3A_106] {strides = array<i32>} : memref<64xi32, #tpu.memory_space<vmem>>, vector<16xi32>,
    %get3A_108 = vector.shape_cast %get3A_107 : vector<16xi32> to vector<16xi32>
    %get3A_109 = arith.constant 48 : index
    %get3A_110 = tpu.vector_load %arg8[%get3A_109] {strides = array<i32>} : memref<64xi32, #tpu.memory_space<vmem>>, vector<16xi32>,
    %get3A_111 = vector.shape_cast %get3A_110 : vector<16xi32> to vector<16xi32>
    %sub3A_112 = arith.subi %get3A_111, %get3A_108 : vector<16xi32>
    %max3A_113 = arith.constant 0 : i32
    %max3A_114 = vector.broadcast %max3A_113 : i32 to vector<16xi32>
    %max3A_115 = arith.maxsi %sub3A_112, %max3A_114 : vector<16xi32>
    %min3A_116 = arith.constant 63 : i32
    %min3A_117 = vector.broadcast %min3A_116 : i32 to vector<16xi32>
    %min3A_118 = arith.minsi %max3A_115, %min3A_117 : vector<16xi32>
    %swap3A_119 = arith.constant 48 : index
    %swap3A_120 = tpu.vector_load %arg9[%swap3A_119] {strides = array<i32>} : memref<64xi32, #tpu.memory_space<vmem>>, vector<16xi32>,
    %swap3A_121 = vector.shape_cast %swap3A_120 : vector<16xi32> to vector<16xi32>
    %swap3A_122 = vector.shape_cast %min3A_118 : vector<16xi32> to vector<16xi32>
    tpu.vector_store %arg9[%swap3A_119], %swap3A_122 {strides = array<i32>} : memref<64xi32, #tpu.memory_space<vmem>>, vector<16xi32>,
    %add3A_123 = vector.broadcast %mul3A_20 : i32 to vector<16xi32>
    %add3A_124 = arith.addi %get3A_108, %add3A_123 : vector<16xi32>
    %swap3A_125 = arith.constant 48 : index
    %swap3A_126 = tpu.vector_load %arg7[%swap3A_125] {strides = array<i32>} : memref<64xi32, #tpu.memory_space<vmem>>, vector<16xi32>,
    %swap3A_127 = vector.shape_cast %swap3A_126 : vector<16xi32> to vector<16xi32>
    %swap3A_128 = vector.shape_cast %add3A_124 : vector<16xi32> to vector<16xi32>
    tpu.vector_store %arg7[%swap3A_125], %swap3A_128 {strides = array<i32>} : memref<64xi32, #tpu.memory_space<vmem>>, vector<16xi32>,
    %add3A_129 = vector.broadcast %mul3A_20 : i32 to vector<16xi32>
    %add3A_130 = arith.addi %get3A_111, %add3A_129 : vector<16xi32>
    %swap3A_131 = arith.constant 48 : index
    %swap3A_132 = tpu.vector_load %arg8[%swap3A_131] {strides = array<i32>} : memref<64xi32, #tpu.memory_space<vmem>>, vector<16xi32>,
    %swap3A_133 = vector.shape_cast %swap3A_132 : vector<16xi32> to vector<16xi32>
    %swap3A_134 = vector.shape_cast %add3A_130 : vector<16xi32> to vector<16xi32>
    tpu.vector_store %arg8[%swap3A_131], %swap3A_134 {strides = array<i32>} : memref<64xi32, #tpu.memory_space<vmem>>, vector<16xi32>,
    %dma_start3A = arith.constant 0 : i32
    %dma_start3A_135 = arith.constant 0 : i32
    %dma_start3A_136 = tpu.memref_slice %arg2[%dma_start3A, %dma_start3A_135] : memref<8192x768xf32, #tpu.memory_space<hbm>> -> memref<8192x768xf32, #tpu.memory_space<hbm>>
    tpu.enqueue_indirect_dma source(%dma_start3A_136 : memref<8192x768xf32, #tpu.memory_space<hbm>>) target(%arg10 : memref<64x768xf32, #tpu.memory_space<vmem>>) offsets(%arg7 : memref<64xi32, #tpu.memory_space<vmem>>) semaphore(%arg13 : memref<!tpu.dma_semaphore, #tpu.memory_space<semaphore_mem>>)
    %dma_start3A_137 = arith.constant 0 : i32
    %dma_start3A_138 = arith.constant 0 : i32
    %dma_start3A_139 = tpu.memref_slice %arg2[%dma_start3A_137, %dma_start3A_138] : memref<8192x768xf32, #tpu.memory_space<hbm>> -> memref<8192x768xf32, #tpu.memory_space<hbm>>
    tpu.enqueue_indirect_dma source(%dma_start3A_139 : memref<8192x768xf32, #tpu.memory_space<hbm>>) target(%arg11 : memref<64x768xf32, #tpu.memory_space<vmem>>) offsets(%arg8 : memref<64xi32, #tpu.memory_space<vmem>>) semaphore(%arg13 : memref<!tpu.dma_semaphore, #tpu.memory_space<semaphore_mem>>)
    %dma_start3A_140 = arith.constant 0 : i32
    %dma_start3A_141 = arith.constant 0 : i32
    %dma_start3A_142 = tpu.memref_slice %arg5[%dma_start3A_140, %dma_start3A_141] : memref<64x128xf32, #tpu.memory_space<hbm>> -> memref<64x128xf32, #tpu.memory_space<hbm>>
    tpu.enqueue_indirect_dma source(%dma_start3A_142 : memref<64x128xf32, #tpu.memory_space<hbm>>) target(%arg12 : memref<64x128xf32, #tpu.memory_space<vmem>>) offsets(%arg9 : memref<64xi32, #tpu.memory_space<vmem>>) semaphore(%arg13 : memref<!tpu.dma_semaphore, #tpu.memory_space<semaphore_mem>>)
    %dma_wait3A = arith.constant 0 : i32
    %dma_wait3A_143 = arith.constant 0 : i32
    %dma_wait3A_144 = tpu.memref_slice %arg2[%dma_wait3A, %dma_wait3A_143] : memref<8192x768xf32, #tpu.memory_space<hbm>> -> memref<8192x768xf32, #tpu.memory_space<hbm>>
    tpu.wait_indirect_dma semaphore(%arg13 : memref<!tpu.dma_semaphore, #tpu.memory_space<semaphore_mem>>) src(%dma_wait3A_144 : memref<8192x768xf32, #tpu.memory_space<hbm>>) dst(%arg10 : memref<64x768xf32, #tpu.memory_space<vmem>>)
    %dma_wait3A_145 = arith.constant 0 : i32
    %dma_wait3A_146 = arith.constant 0 : i32
    %dma_wait3A_147 = tpu.memref_slice %arg2[%dma_wait3A_145, %dma_wait3A_146] : memref<8192x768xf32, #tpu.memory_space<hbm>> -> memref<8192x768xf32, #tpu.memory_space<hbm>>
    tpu.wait_indirect_dma semaphore(%arg13 : memref<!tpu.dma_semaphore, #tpu.memory_space<semaphore_mem>>) src(%dma_wait3A_147 : memref<8192x768xf32, #tpu.memory_space<hbm>>) dst(%arg11 : memref<64x768xf32, #tpu.memory_space<vmem>>)
    %dma_wait3A_148 = arith.constant 0 : i32
    %dma_wait3A_149 = arith.constant 0 : i32
    %dma_wait3A_150 = tpu.memref_slice %arg5[%dma_wait3A_148, %dma_wait3A_149] : memref<64x128xf32, #tpu.memory_space<hbm>> -> memref<64x128xf32, #tpu.memory_space<hbm>>
    tpu.wait_indirect_dma semaphore(%arg13 : memref<!tpu.dma_semaphore, #tpu.memory_space<semaphore_mem>>) src(%dma_wait3A_150 : memref<64x128xf32, #tpu.memory_space<hbm>>) dst(%arg12 : memref<64x128xf32, #tpu.memory_space<vmem>>)
    %dma_start3A_151 = arith.constant 0 : i32
    %dma_start3A_152 = tpu.memref_slice %arg6[%add3A_22, %dma_start3A_151] : memref<4096x1664xf32, #tpu.memory_space<hbm>> -> memref<64x768xf32, #tpu.memory_space<hbm>>
    %dma_start3A_153 = arith.constant 0 : i32
    %dma_start3A_154 = tpu.memref_slice %arg6[%add3A_22, %dma_start3A_153] : memref<4096x1664xf32, #tpu.memory_space<hbm>> -> memref<64x768xf32, #tpu.memory_space<hbm>>
    tpu.enqueue_dma source(%arg10 : memref<64x768xf32, #tpu.memory_space<vmem>>) target(%dma_start3A_154 : memref<64x768xf32, #tpu.memory_space<hbm>>) target_semaphore(%arg13 : memref<!tpu.dma_semaphore, #tpu.memory_space<semaphore_mem>>)
    %dma_start3A_155 = arith.constant 768 : i32
    %dma_start3A_156 = tpu.memref_slice %arg6[%add3A_22, %dma_start3A_155] : memref<4096x1664xf32, #tpu.memory_space<hbm>> -> memref<64x768xf32, #tpu.memory_space<hbm>>
    %dma_start3A_157 = arith.constant 768 : i32
    %dma_start3A_158 = tpu.memref_slice %arg6[%add3A_22, %dma_start3A_157] : memref<4096x1664xf32, #tpu.memory_space<hbm>> -> memref<64x768xf32, #tpu.memory_space<hbm>>
    tpu.enqueue_dma source(%arg11 : memref<64x768xf32, #tpu.memory_space<vmem>>) target(%dma_start3A_158 : memref<64x768xf32, #tpu.memory_space<hbm>>) target_semaphore(%arg13 : memref<!tpu.dma_semaphore, #tpu.memory_space<semaphore_mem>>)
    %dma_start3A_159 = arith.constant 1536 : i32
    %dma_start3A_160 = tpu.memref_slice %arg6[%add3A_22, %dma_start3A_159] : memref<4096x1664xf32, #tpu.memory_space<hbm>> -> memref<64x128xf32, #tpu.memory_space<hbm>>
    %dma_start3A_161 = arith.constant 1536 : i32
    %dma_start3A_162 = tpu.memref_slice %arg6[%add3A_22, %dma_start3A_161] : memref<4096x1664xf32, #tpu.memory_space<hbm>> -> memref<64x128xf32, #tpu.memory_space<hbm>>
    tpu.enqueue_dma source(%arg12 : memref<64x128xf32, #tpu.memory_space<vmem>>) target(%dma_start3A_162 : memref<64x128xf32, #tpu.memory_space<hbm>>) target_semaphore(%arg13 : memref<!tpu.dma_semaphore, #tpu.memory_space<semaphore_mem>>)
    %dma_wait3A_163 = arith.constant 0 : i32
    %dma_wait3A_164 = tpu.memref_slice %arg6[%add3A_22, %dma_wait3A_163] : memref<4096x1664xf32, #tpu.memory_space<hbm>> -> memref<64x768xf32, #tpu.memory_space<hbm>>
    %dma_wait3A_165 = arith.constant 0 : i32
    %dma_wait3A_166 = tpu.memref_slice %arg6[%add3A_22, %dma_wait3A_165] : memref<4096x1664xf32, #tpu.memory_space<hbm>> -> memref<64x768xf32, #tpu.memory_space<hbm>>
    tpu.wait_dma2 semaphore(%arg13 : memref<!tpu.dma_semaphore, #tpu.memory_space<semaphore_mem>>) src(%arg10 : memref<64x768xf32, #tpu.memory_space<vmem>>) dst(%dma_wait3A_166 : memref<64x768xf32, #tpu.memory_space<hbm>>)
    %dma_wait3A_167 = arith.constant 768 : i32
    %dma_wait3A_168 = tpu.memref_slice %arg6[%add3A_22, %dma_wait3A_167] : memref<4096x1664xf32, #tpu.memory_space<hbm>> -> memref<64x768xf32, #tpu.memory_space<hbm>>
    %dma_wait3A_169 = arith.constant 768 : i32
    %dma_wait3A_170 = tpu.memref_slice %arg6[%add3A_22, %dma_wait3A_169] : memref<4096x1664xf32, #tpu.memory_space<hbm>> -> memref<64x768xf32, #tpu.memory_space<hbm>>
    tpu.wait_dma2 semaphore(%arg13 : memref<!tpu.dma_semaphore, #tpu.memory_space<semaphore_mem>>) src(%arg11 : memref<64x768xf32, #tpu.memory_space<vmem>>) dst(%dma_wait3A_170 : memref<64x768xf32, #tpu.memory_space<hbm>>)
    %dma_wait3A_171 = arith.constant 1536 : i32
    %dma_wait3A_172 = tpu.memref_slice %arg6[%add3A_22, %dma_wait3A_171] : memref<4096x1664xf32, #tpu.memory_space<hbm>> -> memref<64x128xf32, #tpu.memory_space<hbm>>
    %dma_wait3A_173 = arith.constant 1536 : i32
    %dma_wait3A_174 = tpu.memref_slice %arg6[%add3A_22, %dma_wait3A_173] : memref<4096x1664xf32, #tpu.memory_space<hbm>> -> memref<64x128xf32, #tpu.memory_space<hbm>>
    tpu.wait_dma2 semaphore(%arg13 : memref<!tpu.dma_semaphore, #tpu.memory_space<semaphore_mem>>) src(%arg12 : memref<64x128xf32, #tpu.memory_space<vmem>>) dst(%dma_wait3A_174 : memref<64x128xf32, #tpu.memory_space<hbm>>)
    %add3A_175 = arith.constant 64 : i32
    %add3A_176 = arith.addi %mul3A_2, %add3A_175 : i32
    "tpu.region"() ({
      %run_scoped3A = tpu.sem_alloc : memref<!tpu.dma_semaphore, #tpu.memory_space<semaphore_mem>>
      %dma_start3A_335 = tpu.memref_slice %arg3[%add3A_176] : memref<4096xi32, #tpu.memory_space<hbm>> -> memref<64xi32, #tpu.memory_space<hbm>>
      %dma_start3A_336 = tpu.memref_slice %arg3[%add3A_176] : memref<4096xi32, #tpu.memory_space<hbm>> -> memref<64xi32, #tpu.memory_space<hbm>>
      tpu.enqueue_dma source(%dma_start3A_336 : memref<64xi32, #tpu.memory_space<hbm>>) target(%arg7 : memref<64xi32, #tpu.memory_space<vmem>>) target_semaphore(%run_scoped3A : memref<!tpu.dma_semaphore, #tpu.memory_space<semaphore_mem>>)
      %dma_wait3A_337 = tpu.memref_slice %arg3[%add3A_176] : memref<4096xi32, #tpu.memory_space<hbm>> -> memref<64xi32, #tpu.memory_space<hbm>>
      %dma_wait3A_338 = tpu.memref_slice %arg3[%add3A_176] : memref<4096xi32, #tpu.memory_space<hbm>> -> memref<64xi32, #tpu.memory_space<hbm>>
      tpu.wait_dma2 semaphore(%run_scoped3A : memref<!tpu.dma_semaphore, #tpu.memory_space<semaphore_mem>>) src(%dma_wait3A_338 : memref<64xi32, #tpu.memory_space<hbm>>) dst(%arg7 : memref<64xi32, #tpu.memory_space<vmem>>)
      tpu.yield
    }) : () -> ()
    "tpu.region"() ({
      %run_scoped3A = tpu.sem_alloc : memref<!tpu.dma_semaphore, #tpu.memory_space<semaphore_mem>>
      %dma_start3A_335 = tpu.memref_slice %arg4[%add3A_176] : memref<4096xi32, #tpu.memory_space<hbm>> -> memref<64xi32, #tpu.memory_space<hbm>>
      %dma_start3A_336 = tpu.memref_slice %arg4[%add3A_176] : memref<4096xi32, #tpu.memory_space<hbm>> -> memref<64xi32, #tpu.memory_space<hbm>>
      tpu.enqueue_dma source(%dma_start3A_336 : memref<64xi32, #tpu.memory_space<hbm>>) target(%arg8 : memref<64xi32, #tpu.memory_space<vmem>>) target_semaphore(%run_scoped3A : memref<!tpu.dma_semaphore, #tpu.memory_space<semaphore_mem>>)
      %dma_wait3A_337 = tpu.memref_slice %arg4[%add3A_176] : memref<4096xi32, #tpu.memory_space<hbm>> -> memref<64xi32, #tpu.memory_space<hbm>>
      %dma_wait3A_338 = tpu.memref_slice %arg4[%add3A_176] : memref<4096xi32, #tpu.memory_space<hbm>> -> memref<64xi32, #tpu.memory_space<hbm>>
      tpu.wait_dma2 semaphore(%run_scoped3A : memref<!tpu.dma_semaphore, #tpu.memory_space<semaphore_mem>>) src(%dma_wait3A_338 : memref<64xi32, #tpu.memory_space<hbm>>) dst(%arg8 : memref<64xi32, #tpu.memory_space<vmem>>)
      tpu.yield
    }) : () -> ()
    %get3A_177 = arith.constant 0 : index
    %get3A_178 = tpu.vector_load %arg7[%get3A_177] {strides = array<i32>} : memref<64xi32, #tpu.memory_space<vmem>>, vector<16xi32>,
    %get3A_179 = vector.shape_cast %get3A_178 : vector<16xi32> to vector<16xi32>
    %get3A_180 = arith.constant 0 : index
    %get3A_181 = tpu.vector_load %arg8[%get3A_180] {strides = array<i32>} : memref<64xi32, #tpu.memory_space<vmem>>, vector<16xi32>,
    %get3A_182 = vector.shape_cast %get3A_181 : vector<16xi32> to vector<16xi32>
    %sub3A_183 = arith.subi %get3A_182, %get3A_179 : vector<16xi32>
    %max3A_184 = arith.constant 0 : i32
    %max3A_185 = vector.broadcast %max3A_184 : i32 to vector<16xi32>
    %max3A_186 = arith.maxsi %sub3A_183, %max3A_185 : vector<16xi32>
    %min3A_187 = arith.constant 63 : i32
    %min3A_188 = vector.broadcast %min3A_187 : i32 to vector<16xi32>
    %min3A_189 = arith.minsi %max3A_186, %min3A_188 : vector<16xi32>
    %swap3A_190 = arith.constant 0 : index
    %swap3A_191 = tpu.vector_load %arg9[%swap3A_190] {strides = array<i32>} : memref<64xi32, #tpu.memory_space<vmem>>, vector<16xi32>,
    %swap3A_192 = vector.shape_cast %swap3A_191 : vector<16xi32> to vector<16xi32>
    %swap3A_193 = vector.shape_cast %min3A_189 : vector<16xi32> to vector<16xi32>
    tpu.vector_store %arg9[%swap3A_190], %swap3A_193 {strides = array<i32>} : memref<64xi32, #tpu.memory_space<vmem>>, vector<16xi32>,
    %add3A_194 = vector.broadcast %mul3A_20 : i32 to vector<16xi32>
    %add3A_195 = arith.addi %get3A_179, %add3A_194 : vector<16xi32>
    %swap3A_196 = arith.constant 0 : index
    %swap3A_197 = tpu.vector_load %arg7[%swap3A_196] {strides = array<i32>} : memref<64xi32, #tpu.memory_space<vmem>>, vector<16xi32>,
    %swap3A_198 = vector.shape_cast %swap3A_197 : vector<16xi32> to vector<16xi32>
    %swap3A_199 = vector.shape_cast %add3A_195 : vector<16xi32> to vector<16xi32>
    tpu.vector_store %arg7[%swap3A_196], %swap3A_199 {strides = array<i32>} : memref<64xi32, #tpu.memory_space<vmem>>, vector<16xi32>,
    %add3A_200 = vector.broadcast %mul3A_20 : i32 to vector<16xi32>
    %add3A_201 = arith.addi %get3A_182, %add3A_200 : vector<16xi32>
    %swap3A_202 = arith.constant 0 : index
    %swap3A_203 = tpu.vector_load %arg8[%swap3A_202] {strides = array<i32>} : memref<64xi32, #tpu.memory_space<vmem>>, vector<16xi32>,
    %swap3A_204 = vector.shape_cast %swap3A_203 : vector<16xi32> to vector<16xi32>
    %swap3A_205 = vector.shape_cast %add3A_201 : vector<16xi32> to vector<16xi32>
    tpu.vector_store %arg8[%swap3A_202], %swap3A_205 {strides = array<i32>} : memref<64xi32, #tpu.memory_space<vmem>>, vector<16xi32>,
    %get3A_206 = arith.constant 16 : index
    %get3A_207 = tpu.vector_load %arg7[%get3A_206] {strides = array<i32>} : memref<64xi32, #tpu.memory_space<vmem>>, vector<16xi32>,
    %get3A_208 = vector.shape_cast %get3A_207 : vector<16xi32> to vector<16xi32>
    %get3A_209 = arith.constant 16 : index
    %get3A_210 = tpu.vector_load %arg8[%get3A_209] {strides = array<i32>} : memref<64xi32, #tpu.memory_space<vmem>>, vector<16xi32>,
    %get3A_211 = vector.shape_cast %get3A_210 : vector<16xi32> to vector<16xi32>
    %sub3A_212 = arith.subi %get3A_211, %get3A_208 : vector<16xi32>
    %max3A_213 = arith.constant 0 : i32
    %max3A_214 = vector.broadcast %max3A_213 : i32 to vector<16xi32>
    %max3A_215 = arith.maxsi %sub3A_212, %max3A_214 : vector<16xi32>
    %min3A_216 = arith.constant 63 : i32
    %min3A_217 = vector.broadcast %min3A_216 : i32 to vector<16xi32>
    %min3A_218 = arith.minsi %max3A_215, %min3A_217 : vector<16xi32>
    %swap3A_219 = arith.constant 16 : index
    %swap3A_220 = tpu.vector_load %arg9[%swap3A_219] {strides = array<i32>} : memref<64xi32, #tpu.memory_space<vmem>>, vector<16xi32>,
    %swap3A_221 = vector.shape_cast %swap3A_220 : vector<16xi32> to vector<16xi32>
    %swap3A_222 = vector.shape_cast %min3A_218 : vector<16xi32> to vector<16xi32>
    tpu.vector_store %arg9[%swap3A_219], %swap3A_222 {strides = array<i32>} : memref<64xi32, #tpu.memory_space<vmem>>, vector<16xi32>,
    %add3A_223 = vector.broadcast %mul3A_20 : i32 to vector<16xi32>
    %add3A_224 = arith.addi %get3A_208, %add3A_223 : vector<16xi32>
    %swap3A_225 = arith.constant 16 : index
    %swap3A_226 = tpu.vector_load %arg7[%swap3A_225] {strides = array<i32>} : memref<64xi32, #tpu.memory_space<vmem>>, vector<16xi32>,
    %swap3A_227 = vector.shape_cast %swap3A_226 : vector<16xi32> to vector<16xi32>
    %swap3A_228 = vector.shape_cast %add3A_224 : vector<16xi32> to vector<16xi32>
    tpu.vector_store %arg7[%swap3A_225], %swap3A_228 {strides = array<i32>} : memref<64xi32, #tpu.memory_space<vmem>>, vector<16xi32>,
    %add3A_229 = vector.broadcast %mul3A_20 : i32 to vector<16xi32>
    %add3A_230 = arith.addi %get3A_211, %add3A_229 : vector<16xi32>
    %swap3A_231 = arith.constant 16 : index
    %swap3A_232 = tpu.vector_load %arg8[%swap3A_231] {strides = array<i32>} : memref<64xi32, #tpu.memory_space<vmem>>, vector<16xi32>,
    %swap3A_233 = vector.shape_cast %swap3A_232 : vector<16xi32> to vector<16xi32>
    %swap3A_234 = vector.shape_cast %add3A_230 : vector<16xi32> to vector<16xi32>
    tpu.vector_store %arg8[%swap3A_231], %swap3A_234 {strides = array<i32>} : memref<64xi32, #tpu.memory_space<vmem>>, vector<16xi32>,
    %get3A_235 = arith.constant 32 : index
    %get3A_236 = tpu.vector_load %arg7[%get3A_235] {strides = array<i32>} : memref<64xi32, #tpu.memory_space<vmem>>, vector<16xi32>,
    %get3A_237 = vector.shape_cast %get3A_236 : vector<16xi32> to vector<16xi32>
    %get3A_238 = arith.constant 32 : index
    %get3A_239 = tpu.vector_load %arg8[%get3A_238] {strides = array<i32>} : memref<64xi32, #tpu.memory_space<vmem>>, vector<16xi32>,
    %get3A_240 = vector.shape_cast %get3A_239 : vector<16xi32> to vector<16xi32>
    %sub3A_241 = arith.subi %get3A_240, %get3A_237 : vector<16xi32>
    %max3A_242 = arith.constant 0 : i32
    %max3A_243 = vector.broadcast %max3A_242 : i32 to vector<16xi32>
    %max3A_244 = arith.maxsi %sub3A_241, %max3A_243 : vector<16xi32>
    %min3A_245 = arith.constant 63 : i32
    %min3A_246 = vector.broadcast %min3A_245 : i32 to vector<16xi32>
    %min3A_247 = arith.minsi %max3A_244, %min3A_246 : vector<16xi32>
    %swap3A_248 = arith.constant 32 : index
    %swap3A_249 = tpu.vector_load %arg9[%swap3A_248] {strides = array<i32>} : memref<64xi32, #tpu.memory_space<vmem>>, vector<16xi32>,
    %swap3A_250 = vector.shape_cast %swap3A_249 : vector<16xi32> to vector<16xi32>
    %swap3A_251 = vector.shape_cast %min3A_247 : vector<16xi32> to vector<16xi32>
    tpu.vector_store %arg9[%swap3A_248], %swap3A_251 {strides = array<i32>} : memref<64xi32, #tpu.memory_space<vmem>>, vector<16xi32>,
    %add3A_252 = vector.broadcast %mul3A_20 : i32 to vector<16xi32>
    %add3A_253 = arith.addi %get3A_237, %add3A_252 : vector<16xi32>
    %swap3A_254 = arith.constant 32 : index
    %swap3A_255 = tpu.vector_load %arg7[%swap3A_254] {strides = array<i32>} : memref<64xi32, #tpu.memory_space<vmem>>, vector<16xi32>,
    %swap3A_256 = vector.shape_cast %swap3A_255 : vector<16xi32> to vector<16xi32>
    %swap3A_257 = vector.shape_cast %add3A_253 : vector<16xi32> to vector<16xi32>
    tpu.vector_store %arg7[%swap3A_254], %swap3A_257 {strides = array<i32>} : memref<64xi32, #tpu.memory_space<vmem>>, vector<16xi32>,
    %add3A_258 = vector.broadcast %mul3A_20 : i32 to vector<16xi32>
    %add3A_259 = arith.addi %get3A_240, %add3A_258 : vector<16xi32>
    %swap3A_260 = arith.constant 32 : index
    %swap3A_261 = tpu.vector_load %arg8[%swap3A_260] {strides = array<i32>} : memref<64xi32, #tpu.memory_space<vmem>>, vector<16xi32>,
    %swap3A_262 = vector.shape_cast %swap3A_261 : vector<16xi32> to vector<16xi32>
    %swap3A_263 = vector.shape_cast %add3A_259 : vector<16xi32> to vector<16xi32>
    tpu.vector_store %arg8[%swap3A_260], %swap3A_263 {strides = array<i32>} : memref<64xi32, #tpu.memory_space<vmem>>, vector<16xi32>,
    %get3A_264 = arith.constant 48 : index
    %get3A_265 = tpu.vector_load %arg7[%get3A_264] {strides = array<i32>} : memref<64xi32, #tpu.memory_space<vmem>>, vector<16xi32>,
    %get3A_266 = vector.shape_cast %get3A_265 : vector<16xi32> to vector<16xi32>
    %get3A_267 = arith.constant 48 : index
    %get3A_268 = tpu.vector_load %arg8[%get3A_267] {strides = array<i32>} : memref<64xi32, #tpu.memory_space<vmem>>, vector<16xi32>,
    %get3A_269 = vector.shape_cast %get3A_268 : vector<16xi32> to vector<16xi32>
    %sub3A_270 = arith.subi %get3A_269, %get3A_266 : vector<16xi32>
    %max3A_271 = arith.constant 0 : i32
    %max3A_272 = vector.broadcast %max3A_271 : i32 to vector<16xi32>
    %max3A_273 = arith.maxsi %sub3A_270, %max3A_272 : vector<16xi32>
    %min3A_274 = arith.constant 63 : i32
    %min3A_275 = vector.broadcast %min3A_274 : i32 to vector<16xi32>
    %min3A_276 = arith.minsi %max3A_273, %min3A_275 : vector<16xi32>
    %swap3A_277 = arith.constant 48 : index
    %swap3A_278 = tpu.vector_load %arg9[%swap3A_277] {strides = array<i32>} : memref<64xi32, #tpu.memory_space<vmem>>, vector<16xi32>,
    %swap3A_279 = vector.shape_cast %swap3A_278 : vector<16xi32> to vector<16xi32>
    %swap3A_280 = vector.shape_cast %min3A_276 : vector<16xi32> to vector<16xi32>
    tpu.vector_store %arg9[%swap3A_277], %swap3A_280 {strides = array<i32>} : memref<64xi32, #tpu.memory_space<vmem>>, vector<16xi32>,
    %add3A_281 = vector.broadcast %mul3A_20 : i32 to vector<16xi32>
    %add3A_282 = arith.addi %get3A_266, %add3A_281 : vector<16xi32>
    %swap3A_283 = arith.constant 48 : index
    %swap3A_284 = tpu.vector_load %arg7[%swap3A_283] {strides = array<i32>} : memref<64xi32, #tpu.memory_space<vmem>>, vector<16xi32>,
    %swap3A_285 = vector.shape_cast %swap3A_284 : vector<16xi32> to vector<16xi32>
    %swap3A_286 = vector.shape_cast %add3A_282 : vector<16xi32> to vector<16xi32>
    tpu.vector_store %arg7[%swap3A_283], %swap3A_286 {strides = array<i32>} : memref<64xi32, #tpu.memory_space<vmem>>, vector<16xi32>,
    %add3A_287 = vector.broadcast %mul3A_20 : i32 to vector<16xi32>
    %add3A_288 = arith.addi %get3A_269, %add3A_287 : vector<16xi32>
    %swap3A_289 = arith.constant 48 : index
    %swap3A_290 = tpu.vector_load %arg8[%swap3A_289] {strides = array<i32>} : memref<64xi32, #tpu.memory_space<vmem>>, vector<16xi32>,
    %swap3A_291 = vector.shape_cast %swap3A_290 : vector<16xi32> to vector<16xi32>
    %swap3A_292 = vector.shape_cast %add3A_288 : vector<16xi32> to vector<16xi32>
    tpu.vector_store %arg8[%swap3A_289], %swap3A_292 {strides = array<i32>} : memref<64xi32, #tpu.memory_space<vmem>>, vector<16xi32>,
    %dma_start3A_293 = arith.constant 0 : i32
    %dma_start3A_294 = arith.constant 0 : i32
    %dma_start3A_295 = tpu.memref_slice %arg2[%dma_start3A_293, %dma_start3A_294] : memref<8192x768xf32, #tpu.memory_space<hbm>> -> memref<8192x768xf32, #tpu.memory_space<hbm>>
    tpu.enqueue_indirect_dma source(%dma_start3A_295 : memref<8192x768xf32, #tpu.memory_space<hbm>>) target(%arg10 : memref<64x768xf32, #tpu.memory_space<vmem>>) offsets(%arg7 : memref<64xi32, #tpu.memory_space<vmem>>) semaphore(%arg13 : memref<!tpu.dma_semaphore, #tpu.memory_space<semaphore_mem>>)
    %dma_start3A_296 = arith.constant 0 : i32
    %dma_start3A_297 = arith.constant 0 : i32
    %dma_start3A_298 = tpu.memref_slice %arg2[%dma_start3A_296, %dma_start3A_297] : memref<8192x768xf32, #tpu.memory_space<hbm>> -> memref<8192x768xf32, #tpu.memory_space<hbm>>
    tpu.enqueue_indirect_dma source(%dma_start3A_298 : memref<8192x768xf32, #tpu.memory_space<hbm>>) target(%arg11 : memref<64x768xf32, #tpu.memory_space<vmem>>) offsets(%arg8 : memref<64xi32, #tpu.memory_space<vmem>>) semaphore(%arg13 : memref<!tpu.dma_semaphore, #tpu.memory_space<semaphore_mem>>)
    %dma_start3A_299 = arith.constant 0 : i32
    %dma_start3A_300 = arith.constant 0 : i32
    %dma_start3A_301 = tpu.memref_slice %arg5[%dma_start3A_299, %dma_start3A_300] : memref<64x128xf32, #tpu.memory_space<hbm>> -> memref<64x128xf32, #tpu.memory_space<hbm>>
    tpu.enqueue_indirect_dma source(%dma_start3A_301 : memref<64x128xf32, #tpu.memory_space<hbm>>) target(%arg12 : memref<64x128xf32, #tpu.memory_space<vmem>>) offsets(%arg9 : memref<64xi32, #tpu.memory_space<vmem>>) semaphore(%arg13 : memref<!tpu.dma_semaphore, #tpu.memory_space<semaphore_mem>>)
    %dma_wait3A_302 = arith.constant 0 : i32
    %dma_wait3A_303 = arith.constant 0 : i32
    %dma_wait3A_304 = tpu.memref_slice %arg2[%dma_wait3A_302, %dma_wait3A_303] : memref<8192x768xf32, #tpu.memory_space<hbm>> -> memref<8192x768xf32, #tpu.memory_space<hbm>>
    tpu.wait_indirect_dma semaphore(%arg13 : memref<!tpu.dma_semaphore, #tpu.memory_space<semaphore_mem>>) src(%dma_wait3A_304 : memref<8192x768xf32, #tpu.memory_space<hbm>>) dst(%arg10 : memref<64x768xf32, #tpu.memory_space<vmem>>)
    %dma_wait3A_305 = arith.constant 0 : i32
    %dma_wait3A_306 = arith.constant 0 : i32
    %dma_wait3A_307 = tpu.memref_slice %arg2[%dma_wait3A_305, %dma_wait3A_306] : memref<8192x768xf32, #tpu.memory_space<hbm>> -> memref<8192x768xf32, #tpu.memory_space<hbm>>
    tpu.wait_indirect_dma semaphore(%arg13 : memref<!tpu.dma_semaphore, #tpu.memory_space<semaphore_mem>>) src(%dma_wait3A_307 : memref<8192x768xf32, #tpu.memory_space<hbm>>) dst(%arg11 : memref<64x768xf32, #tpu.memory_space<vmem>>)
    %dma_wait3A_308 = arith.constant 0 : i32
    %dma_wait3A_309 = arith.constant 0 : i32
    %dma_wait3A_310 = tpu.memref_slice %arg5[%dma_wait3A_308, %dma_wait3A_309] : memref<64x128xf32, #tpu.memory_space<hbm>> -> memref<64x128xf32, #tpu.memory_space<hbm>>
    tpu.wait_indirect_dma semaphore(%arg13 : memref<!tpu.dma_semaphore, #tpu.memory_space<semaphore_mem>>) src(%dma_wait3A_310 : memref<64x128xf32, #tpu.memory_space<hbm>>) dst(%arg12 : memref<64x128xf32, #tpu.memory_space<vmem>>)
    %dma_start3A_311 = arith.constant 0 : i32
    %dma_start3A_312 = tpu.memref_slice %arg6[%add3A_176, %dma_start3A_311] : memref<4096x1664xf32, #tpu.memory_space<hbm>> -> memref<64x768xf32, #tpu.memory_space<hbm>>
    %dma_start3A_313 = arith.constant 0 : i32
    %dma_start3A_314 = tpu.memref_slice %arg6[%add3A_176, %dma_start3A_313] : memref<4096x1664xf32, #tpu.memory_space<hbm>> -> memref<64x768xf32, #tpu.memory_space<hbm>>
    tpu.enqueue_dma source(%arg10 : memref<64x768xf32, #tpu.memory_space<vmem>>) target(%dma_start3A_314 : memref<64x768xf32, #tpu.memory_space<hbm>>) target_semaphore(%arg13 : memref<!tpu.dma_semaphore, #tpu.memory_space<semaphore_mem>>)
    %dma_start3A_315 = arith.constant 768 : i32
    %dma_start3A_316 = tpu.memref_slice %arg6[%add3A_176, %dma_start3A_315] : memref<4096x1664xf32, #tpu.memory_space<hbm>> -> memref<64x768xf32, #tpu.memory_space<hbm>>
    %dma_start3A_317 = arith.constant 768 : i32
    %dma_start3A_318 = tpu.memref_slice %arg6[%add3A_176, %dma_start3A_317] : memref<4096x1664xf32, #tpu.memory_space<hbm>> -> memref<64x768xf32, #tpu.memory_space<hbm>>
    tpu.enqueue_dma source(%arg11 : memref<64x768xf32, #tpu.memory_space<vmem>>) target(%dma_start3A_318 : memref<64x768xf32, #tpu.memory_space<hbm>>) target_semaphore(%arg13 : memref<!tpu.dma_semaphore, #tpu.memory_space<semaphore_mem>>)
    %dma_start3A_319 = arith.constant 1536 : i32
    %dma_start3A_320 = tpu.memref_slice %arg6[%add3A_176, %dma_start3A_319] : memref<4096x1664xf32, #tpu.memory_space<hbm>> -> memref<64x128xf32, #tpu.memory_space<hbm>>
    %dma_start3A_321 = arith.constant 1536 : i32
    %dma_start3A_322 = tpu.memref_slice %arg6[%add3A_176, %dma_start3A_321] : memref<4096x1664xf32, #tpu.memory_space<hbm>> -> memref<64x128xf32, #tpu.memory_space<hbm>>
    tpu.enqueue_dma source(%arg12 : memref<64x128xf32, #tpu.memory_space<vmem>>) target(%dma_start3A_322 : memref<64x128xf32, #tpu.memory_space<hbm>>) target_semaphore(%arg13 : memref<!tpu.dma_semaphore, #tpu.memory_space<semaphore_mem>>)
    %dma_wait3A_323 = arith.constant 0 : i32
    %dma_wait3A_324 = tpu.memref_slice %arg6[%add3A_176, %dma_wait3A_323] : memref<4096x1664xf32, #tpu.memory_space<hbm>> -> memref<64x768xf32, #tpu.memory_space<hbm>>
    %dma_wait3A_325 = arith.constant 0 : i32
    %dma_wait3A_326 = tpu.memref_slice %arg6[%add3A_176, %dma_wait3A_325] : memref<4096x1664xf32, #tpu.memory_space<hbm>> -> memref<64x768xf32, #tpu.memory_space<hbm>>
    tpu.wait_dma2 semaphore(%arg13 : memref<!tpu.dma_semaphore, #tpu.memory_space<semaphore_mem>>) src(%arg10 : memref<64x768xf32, #tpu.memory_space<vmem>>) dst(%dma_wait3A_326 : memref<64x768xf32, #tpu.memory_space<hbm>>)
    %dma_wait3A_327 = arith.constant 768 : i32
    %dma_wait3A_328 = tpu.memref_slice %arg6[%add3A_176, %dma_wait3A_327] : memref<4096x1664xf32, #tpu.memory_space<hbm>> -> memref<64x768xf32, #tpu.memory_space<hbm>>
    %dma_wait3A_329 = arith.constant 768 : i32
    %dma_wait3A_330 = tpu.memref_slice %arg6[%add3A_176, %dma_wait3A_329] : memref<4096x1664xf32, #tpu.memory_space<hbm>> -> memref<64x768xf32, #tpu.memory_space<hbm>>
    tpu.wait_dma2 semaphore(%arg13 : memref<!tpu.dma_semaphore, #tpu.memory_space<semaphore_mem>>) src(%arg11 : memref<64x768xf32, #tpu.memory_space<vmem>>) dst(%dma_wait3A_330 : memref<64x768xf32, #tpu.memory_space<hbm>>)
    %dma_wait3A_331 = arith.constant 1536 : i32
    %dma_wait3A_332 = tpu.memref_slice %arg6[%add3A_176, %dma_wait3A_331] : memref<4096x1664xf32, #tpu.memory_space<hbm>> -> memref<64x128xf32, #tpu.memory_space<hbm>>
    %dma_wait3A_333 = arith.constant 1536 : i32
    %dma_wait3A_334 = tpu.memref_slice %arg6[%add3A_176, %dma_wait3A_333] : memref<4096x1664xf32, #tpu.memory_space<hbm>> -> memref<64x128xf32, #tpu.memory_space<hbm>>
    tpu.wait_dma2 semaphore(%arg13 : memref<!tpu.dma_semaphore, #tpu.memory_space<semaphore_mem>>) src(%arg12 : memref<64x128xf32, #tpu.memory_space<vmem>>) dst(%dma_wait3A_334 : memref<64x128xf32, #tpu.memory_space<hbm>>)
    return
  }
}

</mosaic_0001>

<sc_bundles>
// kernel: kernel.3.cloned.1.call-start
scs
__scs_entry_jumppad:
0x0: {  	(pc) =	sbr.rel $0x88, $3  }
0x1: {  	(tag) =	ssettag $0x0;
	lr =	simm.s32 $0x1  }
0x2: {  	[smem:$0x3F9E] =	sst lr;
	_ =	strace $0xD0000000  }
0x3: {  	_ = 	snop  }
0x4: {  	_ = 	snop  }
0x5: {  	_ = 	snop  }
0x6: {  	_ = 	snop  }
0x7: {  	_ = 	snop  }
__scs_overlays_trampoline_lowered:
0x8: {  	[smem:$0x3FAD] =	sst s0  }
0x9: {  	[smem:$0x3FAE] =	sst s1  }
0xa: {  	[smem:$0x3FAF] =	sst s2  }
0xb: {  	[smem:$0x3FB0] =	sst s3  }
0xc: {  	[smem:$0x3FB1] =	sst s4  }
0xd: {  	[smem:$0x3FB2] =	sst s5  }
0xe: {  	[smem:$0x3FB3] =	sst s6  }
0xf: {  	[smem:$0x3FB4] =	sst s7  }
0x10: {  	[smem:$0x3FB5] =	sst s8  }
0x11: {  	[smem:$0x3FB6] =	sst s9;
	s0 =	simm.s32 @!p0 $0x0  }
0x12: {  	s1 =	sld [smem:$0x3F9C];
	s0 =	simm.s32 @p0 $0x1  }
0x13: {  	[smem:$0x3FB7] =	sst s0;
	s0 =	simm.s32 @!p1 $0x0  }
0x14: {  	s2 =	sld [smem:$0x3F9B];
	s0 =	simm.s32 @p1 $0x1  }
0x15: {  	[smem:$0x3FB8] =	sst s0;
	s0 =	simm.s32 @!p2 $0x0  }
0x16: {  	s3 =	sld [smem:$0x3FDB];
	s0 =	simm.s32 @p2 $0x1  }
0x17: {  	s4 =	simm.s32 $0x1BF5;
	[smem:$0x3FBA] =	sst s0  }
0x18: {  	s0 =	sld [smem:$0x3F9D];
	_ =	swait.ge [sflag:s4], $0x0  }
0x19: {  	s7 =	sld [smem:$0x3F9E]  }
0x1a: {  	s8 =	sadd.s32 $0xFFFFE003, lr  }
0x1b: {  	s9 =	sadd.s32 $0xFFFFFEF7, lr;
	s5 =	simm.s32 $0xFFFFFFFF;
	p2 =	slt.u32 s8, $0xFFFFF086  }
0x1c: {  	p1 =	slt.u32 s9, $0xF7A;
	s5 =	simm.s32 @!p2 $0x0  }
0x1d: {  	s5 =	simm.s32 @p1 $0x1;
	p0 =	seq.s32 s7, s2  }
0x1e: {  	s7 =	smul.u32 @!p0 $0xF7A, s2;
	p2 =	seq.s32 @!p0 s5, $0x0  }
0x1f: {  	s9 =	smul.u32 $0xF7A, s1;
	s8 =	simm.s32 @!p0 $0x1BF5;
	p2 =	por !p2, p0  }
0x20: {  	[sflag:s8] =	ssyncset.s32 @!p0 $0xFFFFF086;
	s6 =	sadd.s32 @!p0 s3, s7;
	s7 =	simm.s32 @!p0 $0x108  }
0x21: {  	s3 =	sadd.s32 s3, s9;
	s6 =	sadd.s32 @!p0 $0x88, s6;
	s7 =	simm.s32 @p2 $0x1082  }
0x22: {  	[simem:s7], [sflag:s8] =	dma.local @!p0 [hbm:s6], $0xF7A  }
0x23: {  	s9 =	sor.u32 $0xD0000000, s2;
	s6 =	simm.s32 $0x108;
	_ =	swait.ge @!p0 [sflag:s8], $0x0  }
0x24: {  	s3 =	sadd.s32 $0x88, s3;
	s6 =	simm.s32 @!p1 $0x1082;
	[sflag:s4] =	ssyncset.s32 $0xFFFFF086  }
0x25: {  	[simem:s6], [sflag:s4] =	dma.local [hbm:s3], $0xF7A  }
0x26: {  	[smem:$0x3F9E] =	sst s1;
	(tag) =	ssettag s2;
	_ =	strace s9  }
0x27: {  	s1 =	sld [smem:$0x3FAE]  }
0x28: {  	s2 =	sld [smem:$0x3FAF]  }
0x29: {  	s4 =	sld [smem:$0x3FB1]  }
0x2a: {  	p0 =	seq.s32 s5, $0x0;
	s5 =	sld [smem:$0x3FB2]  }
0x2b: {  	s6 =	sld [smem:$0x3FB3]  }
0x2c: {  	s7 =	sld [smem:$0x3FB4]  }
0x2d: {  	s3 =	simm.s32 $0x108;
	s8 =	sld [smem:$0x3FB5]  }
0x2e: {  	s3 =	simm.s32 @!p0 $0x1082;
	s9 =	sld [smem:$0x3FB6]  }
0x2f: {  	lr =	sadd.s32 s0, s3;
	s0 =	sld [smem:$0x3FAD]  }
0x30: {  	s3 =	sld [smem:$0x3FB0]  }
0x31: {  	[smem:$0x3FB9] =	sst s10  }
0x32: {  	s10 =	sld [smem:$0x3FB7];
	_ =	sdelay $0x3  }
0x33: {  	p0 =	seq.s32 s10, $0x1;
	s10 =	sld [smem:$0x3FB9];
	_ =	sdelay $0x3  }
0x34: {  	[smem:$0x3FB9] =	sst s10  }
0x35: {  	s10 =	sld [smem:$0x3FB8];
	_ =	sdelay $0x3  }
0x36: {  	p1 =	seq.s32 s10, $0x1;
	s10 =	sld [smem:$0x3FB9];
	_ =	sdelay $0x3  }
0x37: {  	[smem:$0x3FB9] =	sst s10  }
0x38: {  	s10 =	sld [smem:$0x3FBA]  }
0x39: {  	_ = 	snop;
	(pc) =	sbr.ind lr, $3  }
0x3a: {  	_ = 	snop  }
0x3b: {  	_ = 	snop  }
0x3c: {  	p2 =	seq.s32 s10, $0x1;
	s10 =	sld [smem:$0x3FB9]  }
0x3d: {  	_ =	shalt  }
0x3e: {  	_ =	shalt  }
0x3f: {  	_ =	shalt  }
0x40: {  	_ =	shalt  }
0x41: {  	_ =	shalt  }
0x42: {  	_ =	shalt  }
0x43: {  	_ =	shalt  }
0x44: {  	_ =	shalt  }
0x45: {  	_ =	shalt  }
0x46: {  	_ =	shalt  }
0x47: {  	_ =	shalt  }
0x48: {  	_ =	shalt  }
0x49: {  	_ =	shalt  }
0x4a: {  	_ =	shalt  }
0x4b: {  	_ =	shalt  }
0x4c: {  	_ =	shalt  }
0x4d: {  	_ =	shalt  }
0x4e: {  	_ =	shalt  }
0x4f: {  	_ =	shalt  }
0x50: {  	_ =	shalt  }
0x51: {  	_ =	shalt  }
0x52: {  	_ =	shalt  }
0x53: {  	_ =	shalt  }
0x54: {  	_ =	shalt  }
0x55: {  	_ =	shalt  }
0x56: {  	_ =	shalt  }
0x57: {  	_ =	shalt  }
0x58: {  	_ =	shalt  }
0x59: {  	_ =	shalt  }
0x5a: {  	_ =	shalt  }
0x5b: {  	_ =	shalt  }
0x5c: {  	_ =	shalt  }
0x5d: {  	_ =	shalt  }
0x5e: {  	_ =	shalt  }
0x5f: {  	_ =	shalt  }
0x60: {  	_ =	shalt  }
0x61: {  	_ =	shalt  }
0x62: {  	_ =	shalt  }
0x63: {  	_ =	shalt  }
0x64: {  	_ =	shalt  }
0x65: {  	_ =	shalt  }
0x66: {  	_ =	shalt  }
0x67: {  	_ =	shalt  }
0x68: {  	_ =	shalt  }
0x69: {  	_ =	shalt  }
0x6a: {  	_ =	shalt  }
0x6b: {  	_ =	shalt  }
0x6c: {  	_ =	shalt  }
0x6d: {  	_ =	shalt  }
0x6e: {  	_ =	shalt  }
0x6f: {  	_ =	shalt  }
0x70: {  	_ =	shalt  }
0x71: {  	_ =	shalt  }
0x72: {  	_ =	shalt  }
0x73: {  	_ =	shalt  }
0x74: {  	_ =	shalt  }
0x75: {  	_ =	shalt  }
0x76: {  	_ =	shalt  }
0x77: {  	_ =	shalt  }
0x78: {  	_ =	shalt  }
0x79: {  	_ =	shalt  }
0x7a: {  	_ =	shalt  }
0x7b: {  	_ =	shalt  }
0x7c: {  	_ =	shalt  }
0x7d: {  	_ =	shalt  }
0x7e: {  	_ =	shalt  }
0x7f: {  	_ =	shalt  }
0x80: {  	_ =	shalt  }
0x81: {  	_ =	shalt  }
0x82: {  	_ =	shalt  }
0x83: {  	_ =	shalt  }
0x84: {  	_ =	shalt  }
0x85: {  	_ =	shalt  }
0x86: {  	_ =	shalt  }
0x87: {  	_ =	shalt  }
.Lfunc_end0:
.L_simem_size_0:
called_computation_lowered:
.L_overlay_start_0:
0x88: {  	s2 =	sld [smem:$0x3FD9]  }
0x89: {  	s3 =	sld [smem:$0x3FFE];
	_ =	sdelay $0x1  }
0x8a: {  	s1 =	srdreg.scid  }
0x8b: {  	s0 =	sand.u32 $0x1, s1  }
0x8c: {  	s17 =	sshll.u32 s0, $0xA;
	s2 =	sadd.s32 s3, s2  }
0x8d: {  	s2 =	sadd.s32 s2, s17  }
0x8e: {  	[smem:$0x3FC5] =	sst s2  }
0x8f: {  	_ = 	snop  }
0x90: {  	s2 =	sld [smem:$0x3FC9]  }
0x91: {  	s18 =	sld [smem:$0x3FC7]  }
0x92: {  	s4 =	sld [smem:$0x3FD0];
	(tm) =	ssettm $0x1  }
0x93: {  	s5 =	sld [smem:$0x3FFB];
	_ =	sdelay $0x3  }
0x94: {  	_ =	strace s5  }
0x95: {  	s5 =	sld [smem:$0x3FFC];
	_ =	sdelay $0x3  }
0x96: {  	_ =	strace s5  }
0x97: {  	s5 =	sld [smem:$0x3FFD];
	_ =	sdelay $0x3  }
0x98: {  	_ =	strace s5  }
0x99: {  	_ =	strace $0x8FFFFFFF  }
0x9a: {  	s19 =	sld [smem:$0x3FDB];
	_ =	sdelay $0x1  }
0x9b: {  	s6 =	simm.s32 $_scs_section_size  }
0x9c: {  	s7 =	simm.s32 $_size__tile_overlayer_lowered;
	s8 =	simm.s32 $_tile_overlayer_lowered  }
0x9d: {  	s22 =	simm.s32 $0x1BFF;
	s21 =	sshll.u32 s8, $0x1;
	s5 =	sadd.s32 s6, s19  }
0x9e: {  	s9 =	simm.s32 $0x0;
	s20 =	sshll.u32 s7, $0x1;
	s7 =	sadd.s32 s21, s5  }
0x9f: {  	[timem:s9], [sflag:s22] =	dma.local [hbm:s7], s20  }
0xa0: {  	_ =	swait.ge [sflag:s22], s20  }
0xa1: {  	s6 =	ssub.s32 $0x0, s20;
	[sflag:s22] =	ssyncset.done $0x0  }
0xa2: {  	[sflag:s22] =	ssyncadd.s32 s6;
	_ =	sdelay $0x1  }
0xa3: {  	s23 =	simm.s32 $0x1B8B  }
0xa4: {  	_ =	swait.ge [sflag:s23], $0x1  }
0xa5: {  	[sflag:s23] =	ssyncset.done $0x0  }
0xa6: {  	s25 =	simm.s32 $0x1B8E;
	s24 =	sld [smem:$0x3FFE];
	[sflag:s23] =	ssyncadd.s32 $0xFFFFFFFF  }
0xa7: {  	s26 =	simm.s32 $execute0_lowered;
	[smem:$0x3FD2] =	sst s25  }
0xa8: {  	s7 =	sshll.u32 s26, $0x1;
	_ =	strace $0x80000046;
	[dreg:$0x1] =	wrdreg $0xFFFFFFFF  }
0xa9: {  	s28 =	simm.s32 $_size_execute0_lowered;
	s5 =	sadd.s32 s5, s7;
	[dreg:$0x0] =	wrdreg $0x0  }
0xaa: {  	s7 =	sshll.u32 s28, $0x1;
	[dreg:$0x2] =	wrdreg s5  }
0xab: {  	[dreg:$0x3] =	wrdreg s7  }
0xac: {  	[dreg:$0x4] =	wrdreg $0xC0  }
0xad: {  	_ =	task [dreg:s9], $0x5FFFF  }
0xae: {  	[dreg:$0x1] =	wrdreg $0xFFFFFFFF  }
0xaf: {  	[dreg:$0x0] =	wrdreg $0x60  }
0xb0: {  	[dreg:$0x2] =	wrdreg s2  }
0xb1: {  	[dreg:$0x3] =	wrdreg s24  }
0xb2: {  	[dreg:$0x4] =	wrdreg s18  }
0xb3: {  	[dreg:$0x5] =	wrdreg s4  }
0xb4: {  	[dreg:$0x6] =	wrdreg $0x9  }
0xb5: {  	_ =	task.clear_ibuf [dreg:s9], $0x7FFFF;
	_ =	strace $0x90000046  }
0xb6: {  	s29 =	simm.s32 $0x9;
	_ =	strace $0x80000048  }
0xb7: {  	_ =	swait.ge [sflag:s29], $0x1  }
0xb8: {  	[sflag:s29] =	ssyncadd.s32 $0xFFFFFFFF  }
0xb9: {  	_ =	strace $0x90000048  }
0xba: {  	_ =	sfence  }
0xbb: {  	s30 =	sld [smem:$0x0];
	_ =	sdelay $0x2  }
0xbc: {  	s31 =	sshll.u32 s1, $0xD;
	s1 =	sshrl.u32 s1, $0x2  }
0xbd: {  	s3 =	sand.u32 $0x4000, s31;
	s1 =	sadd.s32 s1, s30  }
0xbe: {  	s0 =	sor.u32 s3, s0;
	s1 =	sshll.u32 s1, $0x11  }
0xbf: {  	s0 =	sor.u32 s1, s0  }
0xc0: {  	s0 =	sadd.s32 $0x8F2B, s0  }
0xc1: {  	[sflag:s0] =	ssyncadd.remote.s32 $0x1  }
0xc2: {  	_ =	sfence.sel $0xFFFF  }
0xc3: {  	[dreg:$0x0] =	wrdreg $0xFFFFFFFF;
	(pc) =	sbr.abs _section_cstart, $3  }
0xc4: {  	[dreg:$0x1] =	wrdreg $0xFFFFFFFF  }
0xc5: {  	_ =	task.clear_ibuf [dreg:s9], $0x2FFFF;
	_ =	strace $0x9FFFFFFF  }
0xc6: {  	(tm) =	ssettm $0x7FFFFFFF  }
0xc7: {  	_ =	shalt  }
tec
execute0_lowered:
.L_overlay_start_1:
0x0: {  	(tag) =	ssettag $0x1  }
0x1: {  	s1 =	rddreg [dreg:$0x0]  }
0x2: {  	s0 =	rddreg [dreg:$0x1]  }
0x3: {  	s2 =	rddreg [dreg:$0x3]  }
0x4: {  	s4 =	simm.s32 $0x0;
	s3 =	srdreg.scid;
	s9 =	stileid.u32  }
0x5: {  	s17 =	simm.s32 $0x1;
	s13 =	simm.s32 $0x180;
	s28 =	simm.s32 $0x2180  }
0x6: {  	s29 =	simm.s32 $0x2980;
	s30 =	simm.s32 $0x3180;
	s31 =	simm.s32 $0x3980  }
0x7: {  	s11 =	simm.s32 $0x5980;
	s14 =	simm.s32 $0x6980;
	s12 =	simm.s32 $0x8180  }
0x8: {  	s16 =	simm.s32 $0x8980;
	s18 =	simm.s32 $0x9180;
	[smem:$0x7FF] =	sst s4  }
0x9: {  	s3 =	sand.u32 $0x1, s3;
	s6 =	sshll.u32 s9, $0x5;
	s7 =	sadd.s32 $0x800, s0  }
0xa: {  	s0 =	sadd.s32 $0x600, s0;
	s9 =	sshll.u32 s9, $0x9;
	s21 =	sadd.s32 $0x300, s2  }
0xb: {  	_ =	strace $0x80000047;
	s5 =	ssub.s32 $0x2, s3;
	s3 =	sshll.u32 s3, $0x4  }
0xc: {  	s15 =	sand.u32 $0x1800, s9;
	s8 =	sshrl.u32 s5, $0x1;
	s3 =	sor.u32 s3, s6  }
0xd: {  	v0 =	vmov s15;
	s15 =	simm.s32 $0x7180;
	s6 =	sadd.s32 s7, s3;
	s19 =	sadd.s32 s0, s3  }
0xe: {  	s20 =	smul.u32 $0x680, s3;
	s3 =	sor.u32 $0x8, s3;
	[dreg:$0x5] =	wrdreg s6  }
0xf: {  	s5 =	ssub.s32 s5, s8;
	[dreg:$0x6] =	wrdreg s19;
	s23 =	smul.u32 $0x3400, s3  }
0x10: {  	s7 =	sadd.s32 s7, s3;
	s0 =	sadd.s32 s0, s3;
	s9 =	smax.u32 s5, $0x1  }
0x11: {  	s5 =	simm.s32 $0x3400;
	s19 =	simm.s32 $0x18180;
	[dreg:$0x9] =	wrdreg s7  }
0x12: {  	s10 =	sadd.s32 s2, s20;
	s8 =	sadd.s32 s20, s21;
	[dreg:$0xa] =	wrdreg s0  }
0x13: {  	s7 =	sadd.s32 $0x100, s1;
	s20 =	simm.s32 $0x7980;
	[dreg:$0x7] =	wrdreg s8  }
0x14: {  	[dreg:$0xd] =	wrdreg s10;
	s22 =	sadd.s32 $0x600, s10;
	s24 =	sshrl.u32 s23, $0x3  }
0x15: {  	s8 =	sadd.s32 $0x200, s1;
	[dreg:$0x8] =	wrdreg s22;
	s25 =	sadd.s32 s24, s21  }
0x16: {  	v3 =	vlaneseq.u32;
	s10 =	simm.s32 $0x2;
	s2 =	sadd.s32 s2, s24;
	[dreg:$0xb] =	wrdreg s25  }
0x17: {  	vm0 =	vmmov $0xffff;
	v2 =	vshrl.u32 v3, $0x3;
	s24 =	simm.s32 $0x980;
	[dreg:$0xe] =	wrdreg s2;
	s26 =	sadd.s32 $0x600, s2  }
0x18: {  	v1 =	vand.u32 $0x7, v3;
	v3 =	vor.u32 $0x8, v3;
	v2 =	vmul.u32 $0x8, v2;
	s25 =	simm.s32 $0x1180;
	[dreg:$0xc] =	wrdreg s26;
	s26 =	simm.s32 $0x1980  }
.LBB2_1:
0x19: {  	s21 =	rddreg [dreg:$0x5]  }
0x1a: {  	[tilespmem:s4], [sflag:$0x2] =	stream.linear.gather [hbm4b:s21+s4], $0x40, $0x38;
	[tilespmem:$0x1A180] =	vst v63  }
0x1b: {  	_ =	swait.ge [sflag:s10], $0x40  }
0x1c: {  	[sflag:s10] =	ssyncset.done $0x0  }
0x1d: {  	s6 =	simm.s32 $0x80;
	s3 =	rddreg [dreg:$0x6];
	[sflag:s10] =	ssyncadd.s32 $0xFFFFFFC0  }
0x1e: {  	[tilespmem:s6], [sflag:$0x2] =	stream.linear.gather [hbm4b:s3+s4], $0x40, $0x38;
	[tilespmem:$0x1A180] =	vst v63  }
0x1f: {  	_ =	swait.ge [sflag:s10], $0x40  }
0x20: {  	[sflag:s10] =	ssyncset.done $0x0  }
0x21: {  	[sflag:s10] =	ssyncadd.s32 $0xFFFFFFC0  }
0x22: {  	v4 =	vld [tilespmem:$0x0];
	_ =	sdelay $0x2  }
0x23: {  	v5 =	vld [tilespmem:$0x80]  }
0x24: {  	v6 =	vld [tilespmem:$0x10]  }
0x25: {  	v8 =	vld [tilespmem:$0x90];
	v7 =	vadd.s32 v0, v4  }
0x26: {  	v46 =	vld [tilespmem:$0x20];
	[tilespmem:$0x0] =	vst v7  }
0x27: {  	v9 =	vld [tilespmem:$0x0]  }
0x28: {  	v10 =	vld [tilespmem:$0xA0];
	v4 =	vsub.s32 v5, v4  }
0x29: {  	vm1 =	vgt.s32 v4, $0x0  }
0x2a: {  	v12 =	vld [tilespmem:$0x30];
	v11 =	vsub.s32 v8, v6;
	v4 =	vnsel vm1, $0x0, v4  }
0x2b: {  	v13 =	vld [tilespmem:$0xB0];
	vm1 =	vgt.s32 v11, $0x0;
	v4 =	vmin.u32 v4, $0x3F  }
0x2c: {  	[tilespmem:$0x100] =	vst v4;
	v4 =	vadd.s32 v0, v5;
	v5 =	vnsel vm1, $0x0, v11;
	v47 =	vshrl.u32 v9, $0x3  }
0x2d: {  	[tilespmem:$0x80] =	vst v4;
	v4 =	vmin.u32 v5, $0x3F;
	v5 =	vsub.s32 v10, v46;
	v11 =	vmul.u32 $0x30, v47  }
0x2e: {  	[tilespmem:$0x110] =	vst v4;
	v4 =	vadd.s32 v0, v6;
	vm1 =	vgt.s32 v5, $0x0;
	v48 =	vand.u32 $0x7, v9  }
0x2f: {  	[tilespmem:$0x10] =	vst v4;
	v4 =	vadd.s32 v0, v8;
	v5 =	vnsel vm1, $0x0, v5;
	v6 =	vor.u32 v48, v11  }
0x30: {  	[tilespmem:$0x90] =	vst v4;
	v4 =	vmin.u32 v5, $0x3F;
	v5 =	vsub.s32 v13, v12;
	v49 =	vperm.xlane v6, v1  }
0x31: {  	[tilespmem:$0x120] =	vst v4;
	v4 =	vadd.s32 v0, v46;
	vm1 =	vgt.s32 v5, $0x0  }
0x32: {  	[tilespmem:$0x20] =	vst v4;
	v4 =	vadd.s32 v0, v10;
	v5 =	vnsel vm1, $0x0, v5;
	v50 =	vadd.s32 v2, v49  }
0x33: {  	[tilespmem:$0xA0] =	vst v4;
	v4 =	vmin.u32 v5, $0x3F  }
0x34: {  	[tilespmem:$0x130] =	vst v4;
	v4 =	vadd.s32 v0, v12  }
0x35: {  	[tilespmem:$0x30] =	vst v4;
	v4 =	vadd.s32 v0, v13  }
0x36: {  	[tilespmem:$0xB0] =	vst v4;
	v4 =	vperm.xlane v6, v3  }
0x37: {  	[tilespmem:s13], [sflag:$0x1] =	stream.indirect_vreg.gather [hbm4b:s1+s4], $0x80, v50, vm0, $0xb8;
	[tilespmem:$0x1A180] =	vst v63  }
0x38: {  	v4 =	vadd.s32 v2, v4  }
0x39: {  	[tilespmem:s24], [sflag:$0x1] =	stream.indirect_vreg.gather [hbm4b:s7+s4], $0x80, v50, vm0, $0xb8;
	[tilespmem:$0x1A180] =	vst v63  }
0x3a: {  	_ = 	snop  }
0x3b: {  	[tilespmem:s25], [sflag:$0x1] =	stream.indirect_vreg.gather [hbm4b:s8+s4], $0x80, v50, vm0, $0xb8;
	[tilespmem:$0x1A180] =	vst v63  }
0x3c: {  	_ = 	snop  }
0x3d: {  	[tilespmem:s26], [sflag:$0x1] =	stream.indirect_vreg.gather [hbm4b:s1+s4], $0x80, v4, vm0, $0xb8;
	[tilespmem:$0x1A180] =	vst v63  }
0x3e: {  	_ = 	snop  }
0x3f: {  	[tilespmem:s28], [sflag:$0x1] =	stream.indirect_vreg.gather [hbm4b:s7+s4], $0x80, v4, vm0, $0xb8;
	[tilespmem:$0x1A180] =	vst v63  }
0x40: {  	_ = 	snop  }
0x41: {  	[tilespmem:s29], [sflag:$0x1] =	stream.indirect_vreg.gather [hbm4b:s8+s4], $0x80, v4, vm0, $0xb8;
	[tilespmem:$0x1A180] =	vst v63  }
0x42: {  	v4 =	vld [tilespmem:$0x10];
	_ =	sdelay $0x4  }
0x43: {  	v5 =	vshrl.u32 v4, $0x3  }
0x44: {  	v5 =	vmul.u32 $0x30, v5  }
0x45: {  	v4 =	vand.u32 $0x7, v4  }
0x46: {  	v4 =	vor.u32 v4, v5  }
0x47: {  	v5 =	vperm.xlane v4, v1;
	_ =	sdelay $0x1  }
0x48: {  	v5 =	vadd.s32 v2, v5;
	_ =	sdelay $0x3  }
0x49: {  	v4 =	vperm.xlane v4, v3  }
0x4a: {  	[tilespmem:s30], [sflag:$0x1] =	stream.indirect_vreg.gather [hbm4b:s1+s4], $0x80, v5, vm0, $0xb8;
	[tilespmem:$0x1A180] =	vst v63  }
0x4b: {  	v4 =	vadd.s32 v2, v4  }
0x4c: {  	[tilespmem:s31], [sflag:$0x1] =	stream.indirect_vreg.gather [hbm4b:s7+s4], $0x80, v5, vm0, $0xb8;
	[tilespmem:$0x1A180] =	vst v63  }
0x4d: {  	s0 =	simm.s32 $0x4180  }
0x4e: {  	[tilespmem:s0], [sflag:$0x1] =	stream.indirect_vreg.gather [hbm4b:s8+s4], $0x80, v5, vm0, $0xb8;
	[tilespmem:$0x1A180] =	vst v63  }
0x4f: {  	s22 =	simm.s32 $0x4980  }
0x50: {  	[tilespmem:s22], [sflag:$0x1] =	stream.indirect_vreg.gather [hbm4b:s1+s4], $0x80, v4, vm0, $0xb8;
	[tilespmem:$0x1A180] =	vst v63  }
0x51: {  	s23 =	simm.s32 $0x5180  }
0x52: {  	[tilespmem:s23], [sflag:$0x1] =	stream.indirect_vreg.gather [hbm4b:s7+s4], $0x80, v4, vm0, $0xb8;
	[tilespmem:$0x1A180] =	vst v63  }
0x53: {  	_ = 	snop  }
0x54: {  	[tilespmem:s11], [sflag:$0x1] =	stream.indirect_vreg.gather [hbm4b:s8+s4], $0x80, v4, vm0, $0xb8;
	[tilespmem:$0x1A180] =	vst v63  }
0x55: {  	v4 =	vld [tilespmem:$0x20];
	_ =	sdelay $0x4  }
0x56: {  	v5 =	vshrl.u32 v4, $0x3  }
0x57: {  	v5 =	vmul.u32 $0x30, v5  }
0x58: {  	v4 =	vand.u32 $0x7, v4  }
0x59: {  	v4 =	vor.u32 v4, v5  }
0x5a: {  	v5 =	vperm.xlane v4, v1;
	_ =	sdelay $0x1  }
0x5b: {  	v5 =	vadd.s32 v2, v5;
	_ =	sdelay $0x3  }
0x5c: {  	s2 =	simm.s32 $0x6180;
	v4 =	vperm.xlane v4, v3  }
0x5d: {  	[tilespmem:s2], [sflag:$0x1] =	stream.indirect_vreg.gather [hbm4b:s1+s4], $0x80, v5, vm0, $0xb8;
	[tilespmem:$0x1A180] =	vst v63  }
0x5e: {  	v4 =	vadd.s32 v2, v4  }
0x5f: {  	[tilespmem:s14], [sflag:$0x1] =	stream.indirect_vreg.gather [hbm4b:s7+s4], $0x80, v5, vm0, $0xb8;
	[tilespmem:$0x1A180] =	vst v63  }
0x60: {  	_ = 	snop  }
0x61: {  	[tilespmem:s15], [sflag:$0x1] =	stream.indirect_vreg.gather [hbm4b:s8+s4], $0x80, v5, vm0, $0xb8;
	[tilespmem:$0x1A180] =	vst v63  }
0x62: {  	_ = 	snop  }
0x63: {  	[tilespmem:s20], [sflag:$0x1] =	stream.indirect_vreg.gather [hbm4b:s1+s4], $0x80, v4, vm0, $0xb8;
	[tilespmem:$0x1A180] =	vst v63  }
0x64: {  	_ = 	snop  }
0x65: {  	[tilespmem:s12], [sflag:$0x1] =	stream.indirect_vreg.gather [hbm4b:s7+s4], $0x80, v4, vm0, $0xb8;
	[tilespmem:$0x1A180] =	vst v63  }
0x66: {  	_ = 	snop  }
0x67: {  	[tilespmem:s16], [sflag:$0x1] =	stream.indirect_vreg.gather [hbm4b:s8+s4], $0x80, v4, vm0, $0xb8;
	[tilespmem:$0x1A180] =	vst v63  }
0x68: {  	v4 =	vld [tilespmem:$0x30];
	_ =	sdelay $0x4  }
0x69: {  	v5 =	vshrl.u32 v4, $0x3  }
0x6a: {  	v5 =	vmul.u32 $0x30, v5  }
0x6b: {  	v4 =	vand.u32 $0x7, v4  }
0x6c: {  	v4 =	vor.u32 v4, v5  }
0x6d: {  	v5 =	vperm.xlane v4, v1;
	_ =	sdelay $0x1  }
0x6e: {  	v5 =	vadd.s32 v2, v5;
	_ =	sdelay $0x3  }
0x6f: {  	v4 =	vperm.xlane v4, v3  }
0x70: {  	[tilespmem:s18], [sflag:$0x1] =	stream.indirect_vreg.gather [hbm4b:s1+s4], $0x80, v5, vm0, $0xb8;
	[tilespmem:$0x1A180] =	vst v63  }
0x71: {  	s3 =	simm.s32 $0x9980;
	v4 =	vadd.s32 v2, v4  }
0x72: {  	[tilespmem:s3], [sflag:$0x1] =	stream.indirect_vreg.gather [hbm4b:s7+s4], $0x80, v5, vm0, $0xb8;
	[tilespmem:$0x1A180] =	vst v63  }
0x73: {  	s21 =	simm.s32 $0xA180  }
0x74: {  	[tilespmem:s21], [sflag:$0x1] =	stream.indirect_vreg.gather [hbm4b:s8+s4], $0x80, v5, vm0, $0xb8;
	[tilespmem:$0x1A180] =	vst v63  }
0x75: {  	s22 =	simm.s32 $0xA980  }
0x76: {  	[tilespmem:s22], [sflag:$0x1] =	stream.indirect_vreg.gather [hbm4b:s1+s4], $0x80, v4, vm0, $0xb8;
	[tilespmem:$0x1A180] =	vst v63  }
0x77: {  	s23 =	simm.s32 $0xB180  }
0x78: {  	[tilespmem:s23], [sflag:$0x1] =	stream.indirect_vreg.gather [hbm4b:s7+s4], $0x80, v4, vm0, $0xb8;
	[tilespmem:$0x1A180] =	vst v63  }
0x79: {  	s2 =	simm.s32 $0xB980  }
0x7a: {  	[tilespmem:s2], [sflag:$0x1] =	stream.indirect_vreg.gather [hbm4b:s8+s4], $0x80, v4, vm0, $0xb8;
	[tilespmem:$0x1A180] =	vst v63  }
0x7b: {  	v4 =	vld [tilespmem:$0x80];
	_ =	sdelay $0x4  }
0x7c: {  	v5 =	vshrl.u32 v4, $0x3  }
0x7d: {  	v5 =	vmul.u32 $0x30, v5  }
0x7e: {  	v4 =	vand.u32 $0x7, v4  }
0x7f: {  	v4 =	vor.u32 v4, v5  }
0x80: {  	v5 =	vperm.xlane v4, v1;
	_ =	sdelay $0x1  }
0x81: {  	v5 =	vadd.s32 v2, v5;
	_ =	sdelay $0x3  }
0x82: {  	s0 =	simm.s32 $0xC180;
	v4 =	vperm.xlane v4, v3  }
0x83: {  	[tilespmem:s0], [sflag:$0x1] =	stream.indirect_vreg.gather [hbm4b:s1+s4], $0x80, v5, vm0, $0xb8;
	[tilespmem:$0x1A180] =	vst v63  }
0x84: {  	s2 =	simm.s32 $0xC980;
	v4 =	vadd.s32 v2, v4  }
0x85: {  	[tilespmem:s2], [sflag:$0x1] =	stream.indirect_vreg.gather [hbm4b:s7+s4], $0x80, v5, vm0, $0xb8;
	[tilespmem:$0x1A180] =	vst v63  }
0x86: {  	s3 =	simm.s32 $0xD180  }
0x87: {  	[tilespmem:s3], [sflag:$0x1] =	stream.indirect_vreg.gather [hbm4b:s8+s4], $0x80, v5, vm0, $0xb8;
	[tilespmem:$0x1A180] =	vst v63  }
0x88: {  	s21 =	simm.s32 $0xD980  }
0x89: {  	[tilespmem:s21], [sflag:$0x1] =	stream.indirect_vreg.gather [hbm4b:s1+s4], $0x80, v4, vm0, $0xb8;
	[tilespmem:$0x1A180] =	vst v63  }
0x8a: {  	s22 =	simm.s32 $0xE180  }
0x8b: {  	[tilespmem:s22], [sflag:$0x1] =	stream.indirect_vreg.gather [hbm4b:s7+s4], $0x80, v4, vm0, $0xb8;
	[tilespmem:$0x1A180] =	vst v63  }
0x8c: {  	s23 =	simm.s32 $0xE980  }
0x8d: {  	[tilespmem:s23], [sflag:$0x1] =	stream.indirect_vreg.gather [hbm4b:s8+s4], $0x80, v4, vm0, $0xb8;
	[tilespmem:$0x1A180] =	vst v63  }
0x8e: {  	v4 =	vld [tilespmem:$0x90];
	_ =	sdelay $0x4  }
0x8f: {  	v5 =	vshrl.u32 v4, $0x3  }
0x90: {  	v5 =	vmul.u32 $0x30, v5  }
0x91: {  	v4 =	vand.u32 $0x7, v4  }
0x92: {  	v4 =	vor.u32 v4, v5  }
0x93: {  	v5 =	vperm.xlane v4, v1;
	_ =	sdelay $0x1  }
0x94: {  	v5 =	vadd.s32 v2, v5;
	_ =	sdelay $0x3  }
0x95: {  	s3 =	simm.s32 $0xF180;
	v4 =	vperm.xlane v4, v3  }
0x96: {  	[tilespmem:s3], [sflag:$0x1] =	stream.indirect_vreg.gather [hbm4b:s1+s4], $0x80, v5, vm0, $0xb8;
	[tilespmem:$0x1A180] =	vst v63  }
0x97: {  	s21 =	simm.s32 $0xF980;
	v4 =	vadd.s32 v2, v4  }
0x98: {  	[tilespmem:s21], [sflag:$0x1] =	stream.indirect_vreg.gather [hbm4b:s7+s4], $0x80, v5, vm0, $0xb8;
	[tilespmem:$0x1A180] =	vst v63  }
0x99: {  	s22 =	simm.s32 $0x10180  }
0x9a: {  	[tilespmem:s22], [sflag:$0x1] =	stream.indirect_vreg.gather [hbm4b:s8+s4], $0x80, v5, vm0, $0xb8;
	[tilespmem:$0x1A180] =	vst v63  }
0x9b: {  	s23 =	simm.s32 $0x10980  }
0x9c: {  	[tilespmem:s23], [sflag:$0x1] =	stream.indirect_vreg.gather [hbm4b:s1+s4], $0x80, v4, vm0, $0xb8;
	[tilespmem:$0x1A180] =	vst v63  }
0x9d: {  	s3 =	simm.s32 $0x11180  }
0x9e: {  	[tilespmem:s3], [sflag:$0x1] =	stream.indirect_vreg.gather [hbm4b:s7+s4], $0x80, v4, vm0, $0xb8;
	[tilespmem:$0x1A180] =	vst v63  }
0x9f: {  	s21 =	simm.s32 $0x11980  }
0xa0: {  	[tilespmem:s21], [sflag:$0x1] =	stream.indirect_vreg.gather [hbm4b:s8+s4], $0x80, v4, vm0, $0xb8;
	[tilespmem:$0x1A180] =	vst v63  }
0xa1: {  	v4 =	vld [tilespmem:$0xA0];
	_ =	sdelay $0x4  }
0xa2: {  	v5 =	vshrl.u32 v4, $0x3  }
0xa3: {  	v5 =	vmul.u32 $0x30, v5  }
0xa4: {  	v4 =	vand.u32 $0x7, v4  }
0xa5: {  	v4 =	vor.u32 v4, v5  }
0xa6: {  	v5 =	vperm.xlane v4, v1;
	_ =	sdelay $0x1  }
0xa7: {  	v5 =	vadd.s32 v2, v5;
	_ =	sdelay $0x3  }
0xa8: {  	s22 =	simm.s32 $0x12180;
	v4 =	vperm.xlane v4, v3  }
0xa9: {  	[tilespmem:s22], [sflag:$0x1] =	stream.indirect_vreg.gather [hbm4b:s1+s4], $0x80, v5, vm0, $0xb8;
	[tilespmem:$0x1A180] =	vst v63  }
0xaa: {  	s23 =	simm.s32 $0x12980;
	v4 =	vadd.s32 v2, v4  }
0xab: {  	[tilespmem:s23], [sflag:$0x1] =	stream.indirect_vreg.gather [hbm4b:s7+s4], $0x80, v5, vm0, $0xb8;
	[tilespmem:$0x1A180] =	vst v63  }
0xac: {  	s3 =	simm.s32 $0x13180  }
0xad: {  	[tilespmem:s3], [sflag:$0x1] =	stream.indirect_vreg.gather [hbm4b:s8+s4], $0x80, v5, vm0, $0xb8;
	[tilespmem:$0x1A180] =	vst v63  }
0xae: {  	s21 =	simm.s32 $0x13980  }
0xaf: {  	[tilespmem:s21], [sflag:$0x1] =	stream.indirect_vreg.gather [hbm4b:s1+s4], $0x80, v4, vm0, $0xb8;
	[tilespmem:$0x1A180] =	vst v63  }
0xb0: {  	s22 =	simm.s32 $0x14180  }
0xb1: {  	[tilespmem:s22], [sflag:$0x1] =	stream.indirect_vreg.gather [hbm4b:s7+s4], $0x80, v4, vm0, $0xb8;
	[tilespmem:$0x1A180] =	vst v63  }
0xb2: {  	s23 =	simm.s32 $0x14980  }
0xb3: {  	[tilespmem:s23], [sflag:$0x1] =	stream.indirect_vreg.gather [hbm4b:s8+s4], $0x80, v4, vm0, $0xb8;
	[tilespmem:$0x1A180] =	vst v63  }
0xb4: {  	v4 =	vld [tilespmem:$0xB0];
	_ =	sdelay $0x4  }
0xb5: {  	v5 =	vshrl.u32 v4, $0x3  }
0xb6: {  	v5 =	vmul.u32 $0x30, v5  }
0xb7: {  	v4 =	vand.u32 $0x7, v4  }
0xb8: {  	v4 =	vor.u32 v4, v5  }
0xb9: {  	v5 =	vperm.xlane v4, v1;
	_ =	sdelay $0x1  }
0xba: {  	v5 =	vadd.s32 v2, v5;
	_ =	sdelay $0x3  }
0xbb: {  	s3 =	simm.s32 $0x15180;
	v4 =	vperm.xlane v4, v3  }
0xbc: {  	[tilespmem:s3], [sflag:$0x1] =	stream.indirect_vreg.gather [hbm4b:s1+s4], $0x80, v5, vm0, $0xb8;
	[tilespmem:$0x1A180] =	vst v63  }
0xbd: {  	s21 =	simm.s32 $0x15980;
	v4 =	vadd.s32 v2, v4  }
0xbe: {  	[tilespmem:s21], [sflag:$0x1] =	stream.indirect_vreg.gather [hbm4b:s7+s4], $0x80, v5, vm0, $0xb8;
	[tilespmem:$0x1A180] =	vst v63  }
0xbf: {  	s22 =	simm.s32 $0x16180  }
0xc0: {  	[tilespmem:s22], [sflag:$0x1] =	stream.indirect_vreg.gather [hbm4b:s8+s4], $0x80, v5, vm0, $0xb8;
	[tilespmem:$0x1A180] =	vst v63  }
0xc1: {  	s23 =	simm.s32 $0x16980  }
0xc2: {  	[tilespmem:s23], [sflag:$0x1] =	stream.indirect_vreg.gather [hbm4b:s1+s4], $0x80, v4, vm0, $0xb8;
	[tilespmem:$0x1A180] =	vst v63  }
0xc3: {  	s3 =	simm.s32 $0x17180  }
0xc4: {  	[tilespmem:s3], [sflag:$0x1] =	stream.indirect_vreg.gather [hbm4b:s7+s4], $0x80, v4, vm0, $0xb8;
	[tilespmem:$0x1A180] =	vst v63  }
0xc5: {  	s21 =	simm.s32 $0x17980  }
0xc6: {  	[tilespmem:s21], [sflag:$0x1] =	stream.indirect_vreg.gather [hbm4b:s8+s4], $0x80, v4, vm0, $0xb8;
	[tilespmem:$0x1A180] =	vst v63  }
0xc7: {  	s2 =	simm.s32 $0x40;
	s23 =	rddreg [dreg:$0x2];
	s3 =	simm.s32 $0x100  }
0xc8: {  	[tilespmem:s19], [sflag:$0x1] =	stream.indirect.gather [hbm4b:s23+s2], $0x80, s3, s2, $0xb8;
	[tilespmem:$0x1A180] =	vst v63  }
0xc9: {  	_ =	swait.ge [sflag:s17], $0xC000  }
0xca: {  	[sflag:s17] =	ssyncset.done $0x0  }
0xcb: {  	[sflag:s17] =	ssyncadd.s32 $0xFFFF4000  }
0xcc: {  	_ =	swait.ge [sflag:s17], $0xC000  }
0xcd: {  	[sflag:s17] =	ssyncset.done $0x0  }
0xce: {  	[sflag:s17] =	ssyncadd.s32 $0xFFFF4000  }
0xcf: {  	_ =	swait.ge [sflag:s17], $0x2000  }
0xd0: {  	[sflag:s17] =	ssyncset.done $0x0  }
0xd1: {  	s3 =	simm.s32 $0x1800;
	s22 =	rddreg [dreg:$0xd];
	[sflag:s17] =	ssyncadd.s32 $0xFFFFE000  }
0xd2: {  	[hbm4b:s22+s3] =	stream.strided.scatter [tilespmem:s13], [sflag:$0x1], $0xC000, s5, s3, $0x38;
	[tilespmem:$0x1A180] =	vst v63  }
0xd3: {  	s21 =	rddreg [dreg:$0x7]  }
0xd4: {  	[hbm4b:s21+s3] =	stream.strided.scatter [tilespmem:s0], [sflag:$0x1], $0xC000, s5, s3, $0x38;
	[tilespmem:$0x1A180] =	vst v63  }
0xd5: {  	s22 =	rddreg [dreg:$0x8];
	s21 =	simm.s32 $0x400  }
0xd6: {  	[hbm4b:s22+s21] =	stream.strided.scatter [tilespmem:s19], [sflag:$0x1], $0x2000, s5, s21, $0x38;
	[tilespmem:$0x1A180] =	vst v63  }
0xd7: {  	_ =	swait.ge [sflag:s17], $0xC000  }
0xd8: {  	[sflag:s17] =	ssyncset.done $0x0  }
0xd9: {  	[sflag:s17] =	ssyncadd.s32 $0xFFFF4000  }
0xda: {  	_ =	swait.ge [sflag:s17], $0xC000  }
0xdb: {  	[sflag:s17] =	ssyncset.done $0x0  }
0xdc: {  	[sflag:s17] =	ssyncadd.s32 $0xFFFF4000  }
0xdd: {  	_ =	swait.ge [sflag:s17], $0x2000  }
0xde: {  	[sflag:s17] =	ssyncset.done $0x0  }
0xdf: {  	s22 =	rddreg [dreg:$0x9];
	[sflag:s17] =	ssyncadd.s32 $0xFFFFE000  }
0xe0: {  	[tilespmem:s4], [sflag:$0x2] =	stream.linear.gather [hbm4b:s22+s4], $0x40, $0x38;
	[tilespmem:$0x1A180] =	vst v63  }
0xe1: {  	_ =	swait.ge [sflag:s10], $0x40  }
0xe2: {  	[sflag:s10] =	ssyncset.done $0x0  }
0xe3: {  	s22 =	rddreg [dreg:$0xa];
	[sflag:s10] =	ssyncadd.s32 $0xFFFFFFC0  }
0xe4: {  	[tilespmem:s6], [sflag:$0x2] =	stream.linear.gather [hbm4b:s22+s4], $0x40, $0x38;
	[tilespmem:$0x1A180] =	vst v63  }
0xe5: {  	_ =	swait.ge [sflag:s10], $0x40  }
0xe6: {  	[sflag:s10] =	ssyncset.done $0x0  }
0xe7: {  	[sflag:s10] =	ssyncadd.s32 $0xFFFFFFC0  }
0xe8: {  	v4 =	vld [tilespmem:$0x0];
	_ =	sdelay $0x2  }
0xe9: {  	v5 =	vld [tilespmem:$0x80]  }
0xea: {  	v51 =	vld [tilespmem:$0x10]  }
0xeb: {  	v53 =	vld [tilespmem:$0x90];
	v52 =	vadd.s32 v0, v4  }
0xec: {  	v54 =	vld [tilespmem:$0x20];
	[tilespmem:$0x0] =	vst v52  }
0xed: {  	v55 =	vld [tilespmem:$0x0]  }
0xee: {  	v56 =	vld [tilespmem:$0xA0];
	v4 =	vsub.s32 v5, v4  }
0xef: {  	vm1 =	vgt.s32 v4, $0x0  }
0xf0: {  	v58 =	vld [tilespmem:$0x30];
	v57 =	vsub.s32 v53, v51;
	v4 =	vnsel vm1, $0x0, v4  }
0xf1: {  	v59 =	vld [tilespmem:$0xB0];
	vm1 =	vgt.s32 v57, $0x0;
	v4 =	vmin.u32 v4, $0x3F  }
0xf2: {  	[tilespmem:$0x100] =	vst v4;
	v4 =	vadd.s32 v0, v5;
	v5 =	vnsel vm1, $0x0, v57;
	v60 =	vshrl.u32 v55, $0x3  }
0xf3: {  	[tilespmem:$0x80] =	vst v4;
	v4 =	vmin.u32 v5, $0x3F;
	v5 =	vsub.s32 v56, v54;
	v11 =	vmul.u32 $0x30, v60  }
0xf4: {  	[tilespmem:$0x110] =	vst v4;
	v4 =	vadd.s32 v0, v51;
	vm1 =	vgt.s32 v5, $0x0;
	v61 =	vand.u32 $0x7, v55  }
0xf5: {  	[tilespmem:$0x10] =	vst v4;
	v4 =	vnsel vm1, $0x0, v5;
	v5 =	vadd.s32 v0, v53;
	v6 =	vor.u32 v61, v11  }
0xf6: {  	[tilespmem:$0x90] =	vst v5;
	v4 =	vmin.u32 v4, $0x3F;
	v5 =	vsub.s32 v59, v58;
	v62 =	vperm.xlane v6, v1  }
0xf7: {  	[tilespmem:$0x120] =	vst v4;
	v4 =	vadd.s32 v0, v54;
	vm1 =	vgt.s32 v5, $0x0  }
0xf8: {  	[tilespmem:$0x20] =	vst v4;
	v4 =	vnsel vm1, $0x0, v5;
	v5 =	vadd.s32 v0, v56;
	v63 =	vadd.s32 v2, v62  }
0xf9: {  	[tilespmem:$0xA0] =	vst v5;
	v4 =	vmin.u32 v4, $0x3F  }
0xfa: {  	[tilespmem:$0x130] =	vst v4;
	v4 =	vadd.s32 v0, v58  }
0xfb: {  	[tilespmem:$0x30] =	vst v4;
	v4 =	vadd.s32 v0, v59  }
0xfc: {  	[tilespmem:$0xB0] =	vst v4;
	v4 =	vperm.xlane v6, v3  }
0xfd: {  	[tilespmem:s13], [sflag:$0x1] =	stream.indirect_vreg.gather [hbm4b:s1+s4], $0x80, v63, vm0, $0xb8;
	[tilespmem:$0x1A180] =	vst v63  }
0xfe: {  	v4 =	vadd.s32 v2, v4  }
0xff: {  	[tilespmem:s24], [sflag:$0x1] =	stream.indirect_vreg.gather [hbm4b:s7+s4], $0x80, v63, vm0, $0xb8;
	[tilespmem:$0x1A180] =	vst v63  }
0x100: {  	_ = 	snop  }
0x101: {  	[tilespmem:s25], [sflag:$0x1] =	stream.indirect_vreg.gather [hbm4b:s8+s4], $0x80, v63, vm0, $0xb8;
	[tilespmem:$0x1A180] =	vst v63  }
0x102: {  	_ = 	snop  }
0x103: {  	[tilespmem:s26], [sflag:$0x1] =	stream.indirect_vreg.gather [hbm4b:s1+s4], $0x80, v4, vm0, $0xb8;
	[tilespmem:$0x1A180] =	vst v63  }
0x104: {  	_ = 	snop  }
0x105: {  	[tilespmem:s28], [sflag:$0x1] =	stream.indirect_vreg.gather [hbm4b:s7+s4], $0x80, v4, vm0, $0xb8;
	[tilespmem:$0x1A180] =	vst v63  }
0x106: {  	_ = 	snop  }
0x107: {  	[tilespmem:s29], [sflag:$0x1] =	stream.indirect_vreg.gather [hbm4b:s8+s4], $0x80, v4, vm0, $0xb8;
	[tilespmem:$0x1A180] =	vst v63  }
0x108: {  	v4 =	vld [tilespmem:$0x10];
	_ =	sdelay $0x4  }
0x109: {  	v5 =	vshrl.u32 v4, $0x3  }
0x10a: {  	v5 =	vmul.u32 $0x30, v5  }
0x10b: {  	v4 =	vand.u32 $0x7, v4  }
0x10c: {  	v4 =	vor.u32 v4, v5  }
0x10d: {  	v5 =	vperm.xlane v4, v1;
	_ =	sdelay $0x1  }
0x10e: {  	v5 =	vadd.s32 v2, v5;
	_ =	sdelay $0x3  }
0x10f: {  	v4 =	vperm.xlane v4, v3  }
0x110: {  	[tilespmem:s30], [sflag:$0x1] =	stream.indirect_vreg.gather [hbm4b:s1+s4], $0x80, v5, vm0, $0xb8;
	[tilespmem:$0x1A180] =	vst v63  }
0x111: {  	v4 =	vadd.s32 v2, v4  }
0x112: {  	[tilespmem:s31], [sflag:$0x1] =	stream.indirect_vreg.gather [hbm4b:s7+s4], $0x80, v5, vm0, $0xb8;
	[tilespmem:$0x1A180] =	vst v63  }
0x113: {  	s22 =	simm.s32 $0x4180  }
0x114: {  	[tilespmem:s22], [sflag:$0x1] =	stream.indirect_vreg.gather [hbm4b:s8+s4], $0x80, v5, vm0, $0xb8;
	[tilespmem:$0x1A180] =	vst v63  }
0x115: {  	s21 =	simm.s32 $0x4980  }
0x116: {  	[tilespmem:s21], [sflag:$0x1] =	stream.indirect_vreg.gather [hbm4b:s1+s4], $0x80, v4, vm0, $0xb8;
	[tilespmem:$0x1A180] =	vst v63  }
0x117: {  	s22 =	simm.s32 $0x5180  }
0x118: {  	[tilespmem:s22], [sflag:$0x1] =	stream.indirect_vreg.gather [hbm4b:s7+s4], $0x80, v4, vm0, $0xb8;
	[tilespmem:$0x1A180] =	vst v63  }
0x119: {  	_ = 	snop  }
0x11a: {  	[tilespmem:s11], [sflag:$0x1] =	stream.indirect_vreg.gather [hbm4b:s8+s4], $0x80, v4, vm0, $0xb8;
	[tilespmem:$0x1A180] =	vst v63  }
0x11b: {  	v4 =	vld [tilespmem:$0x20];
	_ =	sdelay $0x4  }
0x11c: {  	v5 =	vshrl.u32 v4, $0x3  }
0x11d: {  	v5 =	vmul.u32 $0x30, v5  }
0x11e: {  	v4 =	vand.u32 $0x7, v4  }
0x11f: {  	v4 =	vor.u32 v4, v5  }
0x120: {  	v5 =	vperm.xlane v4, v1;
	_ =	sdelay $0x1  }
0x121: {  	v5 =	vadd.s32 v2, v5;
	_ =	sdelay $0x3  }
0x122: {  	s21 =	simm.s32 $0x6180;
	v4 =	vperm.xlane v4, v3  }
0x123: {  	[tilespmem:s21], [sflag:$0x1] =	stream.indirect_vreg.gather [hbm4b:s1+s4], $0x80, v5, vm0, $0xb8;
	[tilespmem:$0x1A180] =	vst v63  }
0x124: {  	v4 =	vadd.s32 v2, v4  }
0x125: {  	[tilespmem:s14], [sflag:$0x1] =	stream.indirect_vreg.gather [hbm4b:s7+s4], $0x80, v5, vm0, $0xb8;
	[tilespmem:$0x1A180] =	vst v63  }
0x126: {  	_ = 	snop  }
0x127: {  	[tilespmem:s15], [sflag:$0x1] =	stream.indirect_vreg.gather [hbm4b:s8+s4], $0x80, v5, vm0, $0xb8;
	[tilespmem:$0x1A180] =	vst v63  }
0x128: {  	_ = 	snop  }
0x129: {  	[tilespmem:s20], [sflag:$0x1] =	stream.indirect_vreg.gather [hbm4b:s1+s4], $0x80, v4, vm0, $0xb8;
	[tilespmem:$0x1A180] =	vst v63  }
0x12a: {  	_ = 	snop  }
0x12b: {  	[tilespmem:s12], [sflag:$0x1] =	stream.indirect_vreg.gather [hbm4b:s7+s4], $0x80, v4, vm0, $0xb8;
	[tilespmem:$0x1A180] =	vst v63  }
0x12c: {  	_ = 	snop  }
0x12d: {  	[tilespmem:s16], [sflag:$0x1] =	stream.indirect_vreg.gather [hbm4b:s8+s4], $0x80, v4, vm0, $0xb8;
	[tilespmem:$0x1A180] =	vst v63  }
0x12e: {  	v4 =	vld [tilespmem:$0x30];
	_ =	sdelay $0x4  }
0x12f: {  	v5 =	vshrl.u32 v4, $0x3  }
0x130: {  	v5 =	vmul.u32 $0x30, v5  }
0x131: {  	v4 =	vand.u32 $0x7, v4  }
0x132: {  	v4 =	vor.u32 v4, v5  }
0x133: {  	v5 =	vperm.xlane v4, v1;
	_ =	sdelay $0x1  }
0x134: {  	v5 =	vadd.s32 v2, v5;
	_ =	sdelay $0x3  }
0x135: {  	v4 =	vperm.xlane v4, v3  }
0x136: {  	[tilespmem:s18], [sflag:$0x1] =	stream.indirect_vreg.gather [hbm4b:s1+s4], $0x80, v5, vm0, $0xb8;
	[tilespmem:$0x1A180] =	vst v63  }
0x137: {  	s22 =	simm.s32 $0x9980;
	v4 =	vadd.s32 v2, v4  }
0x138: {  	[tilespmem:s22], [sflag:$0x1] =	stream.indirect_vreg.gather [hbm4b:s7+s4], $0x80, v5, vm0, $0xb8;
	[tilespmem:$0x1A180] =	vst v63  }
0x139: {  	s21 =	simm.s32 $0xA180  }
0x13a: {  	[tilespmem:s21], [sflag:$0x1] =	stream.indirect_vreg.gather [hbm4b:s8+s4], $0x80, v5, vm0, $0xb8;
	[tilespmem:$0x1A180] =	vst v63  }
0x13b: {  	s22 =	simm.s32 $0xA980  }
0x13c: {  	[tilespmem:s22], [sflag:$0x1] =	stream.indirect_vreg.gather [hbm4b:s1+s4], $0x80, v4, vm0, $0xb8;
	[tilespmem:$0x1A180] =	vst v63  }
0x13d: {  	s21 =	simm.s32 $0xB180  }
0x13e: {  	[tilespmem:s21], [sflag:$0x1] =	stream.indirect_vreg.gather [hbm4b:s7+s4], $0x80, v4, vm0, $0xb8;
	[tilespmem:$0x1A180] =	vst v63  }
0x13f: {  	s22 =	simm.s32 $0xB980  }
0x140: {  	[tilespmem:s22], [sflag:$0x1] =	stream.indirect_vreg.gather [hbm4b:s8+s4], $0x80, v4, vm0, $0xb8;
	[tilespmem:$0x1A180] =	vst v63  }
0x141: {  	v4 =	vld [tilespmem:$0x80];
	_ =	sdelay $0x4  }
0x142: {  	v5 =	vshrl.u32 v4, $0x3  }
0x143: {  	v5 =	vmul.u32 $0x30, v5  }
0x144: {  	v4 =	vand.u32 $0x7, v4  }
0x145: {  	v4 =	vor.u32 v4, v5  }
0x146: {  	v5 =	vperm.xlane v4, v1;
	_ =	sdelay $0x1  }
0x147: {  	v5 =	vadd.s32 v2, v5;
	_ =	sdelay $0x3  }
0x148: {  	v4 =	vperm.xlane v4, v3  }
0x149: {  	[tilespmem:s0], [sflag:$0x1] =	stream.indirect_vreg.gather [hbm4b:s1+s4], $0x80, v5, vm0, $0xb8;
	[tilespmem:$0x1A180] =	vst v63  }
0x14a: {  	s21 =	simm.s32 $0xC980;
	v4 =	vadd.s32 v2, v4  }
0x14b: {  	[tilespmem:s21], [sflag:$0x1] =	stream.indirect_vreg.gather [hbm4b:s7+s4], $0x80, v5, vm0, $0xb8;
	[tilespmem:$0x1A180] =	vst v63  }
0x14c: {  	s22 =	simm.s32 $0xD180  }
0x14d: {  	[tilespmem:s22], [sflag:$0x1] =	stream.indirect_vreg.gather [hbm4b:s8+s4], $0x80, v5, vm0, $0xb8;
	[tilespmem:$0x1A180] =	vst v63  }
0x14e: {  	s21 =	simm.s32 $0xD980  }
0x14f: {  	[tilespmem:s21], [sflag:$0x1] =	stream.indirect_vreg.gather [hbm4b:s1+s4], $0x80, v4, vm0, $0xb8;
	[tilespmem:$0x1A180] =	vst v63  }
0x150: {  	s22 =	simm.s32 $0xE180  }
0x151: {  	[tilespmem:s22], [sflag:$0x1] =	stream.indirect_vreg.gather [hbm4b:s7+s4], $0x80, v4, vm0, $0xb8;
	[tilespmem:$0x1A180] =	vst v63  }
0x152: {  	s21 =	simm.s32 $0xE980  }
0x153: {  	[tilespmem:s21], [sflag:$0x1] =	stream.indirect_vreg.gather [hbm4b:s8+s4], $0x80, v4, vm0, $0xb8;
	[tilespmem:$0x1A180] =	vst v63  }
0x154: {  	v4 =	vld [tilespmem:$0x90];
	_ =	sdelay $0x4  }
0x155: {  	v5 =	vshrl.u32 v4, $0x3  }
0x156: {  	v5 =	vmul.u32 $0x30, v5  }
0x157: {  	v4 =	vand.u32 $0x7, v4  }
0x158: {  	v4 =	vor.u32 v4, v5  }
0x159: {  	v5 =	vperm.xlane v4, v1;
	_ =	sdelay $0x1  }
0x15a: {  	v5 =	vadd.s32 v2, v5;
	_ =	sdelay $0x3  }
0x15b: {  	s22 =	simm.s32 $0xF180;
	v4 =	vperm.xlane v4, v3  }
0x15c: {  	[tilespmem:s22], [sflag:$0x1] =	stream.indirect_vreg.gather [hbm4b:s1+s4], $0x80, v5, vm0, $0xb8;
	[tilespmem:$0x1A180] =	vst v63  }
0x15d: {  	s21 =	simm.s32 $0xF980;
	v4 =	vadd.s32 v2, v4  }
0x15e: {  	[tilespmem:s21], [sflag:$0x1] =	stream.indirect_vreg.gather [hbm4b:s7+s4], $0x80, v5, vm0, $0xb8;
	[tilespmem:$0x1A180] =	vst v63  }
0x15f: {  	s22 =	simm.s32 $0x10180  }
0x160: {  	[tilespmem:s22], [sflag:$0x1] =	stream.indirect_vreg.gather [hbm4b:s8+s4], $0x80, v5, vm0, $0xb8;
	[tilespmem:$0x1A180] =	vst v63  }
0x161: {  	s21 =	simm.s32 $0x10980  }
0x162: {  	[tilespmem:s21], [sflag:$0x1] =	stream.indirect_vreg.gather [hbm4b:s1+s4], $0x80, v4, vm0, $0xb8;
	[tilespmem:$0x1A180] =	vst v63  }
0x163: {  	s22 =	simm.s32 $0x11180  }
0x164: {  	[tilespmem:s22], [sflag:$0x1] =	stream.indirect_vreg.gather [hbm4b:s7+s4], $0x80, v4, vm0, $0xb8;
	[tilespmem:$0x1A180] =	vst v63  }
0x165: {  	s21 =	simm.s32 $0x11980  }
0x166: {  	[tilespmem:s21], [sflag:$0x1] =	stream.indirect_vreg.gather [hbm4b:s8+s4], $0x80, v4, vm0, $0xb8;
	[tilespmem:$0x1A180] =	vst v63  }
0x167: {  	v4 =	vld [tilespmem:$0xA0];
	_ =	sdelay $0x4  }
0x168: {  	v5 =	vshrl.u32 v4, $0x3  }
0x169: {  	v5 =	vmul.u32 $0x30, v5  }
0x16a: {  	v4 =	vand.u32 $0x7, v4  }
0x16b: {  	v4 =	vor.u32 v4, v5  }
0x16c: {  	v5 =	vperm.xlane v4, v1;
	_ =	sdelay $0x1  }
0x16d: {  	v5 =	vadd.s32 v2, v5;
	_ =	sdelay $0x3  }
0x16e: {  	s22 =	simm.s32 $0x12180;
	v4 =	vperm.xlane v4, v3  }
0x16f: {  	[tilespmem:s22], [sflag:$0x1] =	stream.indirect_vreg.gather [hbm4b:s1+s4], $0x80, v5, vm0, $0xb8;
	[tilespmem:$0x1A180] =	vst v63  }
0x170: {  	s21 =	simm.s32 $0x12980;
	v4 =	vadd.s32 v2, v4  }
0x171: {  	[tilespmem:s21], [sflag:$0x1] =	stream.indirect_vreg.gather [hbm4b:s7+s4], $0x80, v5, vm0, $0xb8;
	[tilespmem:$0x1A180] =	vst v63  }
0x172: {  	s22 =	simm.s32 $0x13180  }
0x173: {  	[tilespmem:s22], [sflag:$0x1] =	stream.indirect_vreg.gather [hbm4b:s8+s4], $0x80, v5, vm0, $0xb8;
	[tilespmem:$0x1A180] =	vst v63  }
0x174: {  	s21 =	simm.s32 $0x13980  }
0x175: {  	[tilespmem:s21], [sflag:$0x1] =	stream.indirect_vreg.gather [hbm4b:s1+s4], $0x80, v4, vm0, $0xb8;
	[tilespmem:$0x1A180] =	vst v63  }
0x176: {  	s22 =	simm.s32 $0x14180  }
0x177: {  	[tilespmem:s22], [sflag:$0x1] =	stream.indirect_vreg.gather [hbm4b:s7+s4], $0x80, v4, vm0, $0xb8;
	[tilespmem:$0x1A180] =	vst v63  }
0x178: {  	s21 =	simm.s32 $0x14980  }
0x179: {  	[tilespmem:s21], [sflag:$0x1] =	stream.indirect_vreg.gather [hbm4b:s8+s4], $0x80, v4, vm0, $0xb8;
	[tilespmem:$0x1A180] =	vst v63  }
0x17a: {  	v4 =	vld [tilespmem:$0xB0];
	_ =	sdelay $0x4  }
0x17b: {  	v5 =	vshrl.u32 v4, $0x3  }
0x17c: {  	v5 =	vmul.u32 $0x30, v5  }
0x17d: {  	v4 =	vand.u32 $0x7, v4  }
0x17e: {  	v4 =	vor.u32 v4, v5  }
0x17f: {  	v5 =	vperm.xlane v4, v1;
	_ =	sdelay $0x1  }
0x180: {  	v5 =	vadd.s32 v2, v5;
	_ =	sdelay $0x3  }
0x181: {  	s22 =	simm.s32 $0x15180;
	v4 =	vperm.xlane v4, v3  }
0x182: {  	[tilespmem:s22], [sflag:$0x1] =	stream.indirect_vreg.gather [hbm4b:s1+s4], $0x80, v5, vm0, $0xb8;
	[tilespmem:$0x1A180] =	vst v63  }
0x183: {  	s21 =	simm.s32 $0x15980;
	v4 =	vadd.s32 v2, v4  }
0x184: {  	[tilespmem:s21], [sflag:$0x1] =	stream.indirect_vreg.gather [hbm4b:s7+s4], $0x80, v5, vm0, $0xb8;
	[tilespmem:$0x1A180] =	vst v63  }
0x185: {  	s22 =	simm.s32 $0x16180  }
0x186: {  	[tilespmem:s22], [sflag:$0x1] =	stream.indirect_vreg.gather [hbm4b:s8+s4], $0x80, v5, vm0, $0xb8;
	[tilespmem:$0x1A180] =	vst v63  }
0x187: {  	s21 =	simm.s32 $0x16980  }
0x188: {  	[tilespmem:s21], [sflag:$0x1] =	stream.indirect_vreg.gather [hbm4b:s1+s4], $0x80, v4, vm0, $0xb8;
	[tilespmem:$0x1A180] =	vst v63  }
0x189: {  	s22 =	simm.s32 $0x17180  }
0x18a: {  	[tilespmem:s22], [sflag:$0x1] =	stream.indirect_vreg.gather [hbm4b:s7+s4], $0x80, v4, vm0, $0xb8;
	[tilespmem:$0x1A180] =	vst v63  }
0x18b: {  	s21 =	simm.s32 $0x17980  }
0x18c: {  	[tilespmem:s21], [sflag:$0x1] =	stream.indirect_vreg.gather [hbm4b:s8+s4], $0x80, v4, vm0, $0xb8;
	[tilespmem:$0x1A180] =	vst v63  }
0x18d: {  	s22 =	simm.s32 $0x100  }
0x18e: {  	[tilespmem:s19], [sflag:$0x1] =	stream.indirect.gather [hbm4b:s23+s2], $0x80, s22, s2, $0xb8;
	[tilespmem:$0x1A180] =	vst v63  }
0x18f: {  	_ =	swait.ge [sflag:s17], $0xC000  }
0x190: {  	[sflag:s17] =	ssyncset.done $0x0  }
0x191: {  	[sflag:s17] =	ssyncadd.s32 $0xFFFF4000  }
0x192: {  	_ =	swait.ge [sflag:s17], $0xC000  }
0x193: {  	[sflag:s17] =	ssyncset.done $0x0  }
0x194: {  	[sflag:s17] =	ssyncadd.s32 $0xFFFF4000  }
0x195: {  	_ =	swait.ge [sflag:s17], $0x2000  }
0x196: {  	[sflag:s17] =	ssyncset.done $0x0  }
0x197: {  	s2 =	rddreg [dreg:$0xe];
	[sflag:s17] =	ssyncadd.s32 $0xFFFFE000  }
0x198: {  	[hbm4b:s2+s3] =	stream.strided.scatter [tilespmem:s13], [sflag:$0x1], $0xC000, s5, s3, $0x38;
	[tilespmem:$0x1A180] =	vst v63  }
0x199: {  	s23 =	rddreg [dreg:$0xb]  }
0x19a: {  	[hbm4b:s23+s3] =	stream.strided.scatter [tilespmem:s0], [sflag:$0x1], $0xC000, s5, s3, $0x38;
	[tilespmem:$0x1A180] =	vst v63  }
0x19b: {  	s6 =	rddreg [dreg:$0xc];
	s23 =	simm.s32 $0x400  }
0x19c: {  	[hbm4b:s6+s23] =	stream.strided.scatter [tilespmem:s19], [sflag:$0x1], $0x2000, s5, s23, $0x38;
	[tilespmem:$0x1A180] =	vst v63  }
0x19d: {  	_ =	swait.ge [sflag:s17], $0xC000  }
0x19e: {  	[sflag:s17] =	ssyncset.done $0x0  }
0x19f: {  	[sflag:s17] =	ssyncadd.s32 $0xFFFF4000  }
0x1a0: {  	p0 =	sne.s32 s9, $0x1;
	_ =	swait.ge [sflag:s17], $0xC000  }
.Ltmp0:
0x1a1: {  	[sflag:s17] =	ssyncset.done $0x0;
	(pc) =	sbr.rel @p0 .LBB2_1-.Ltmp0, $4  }
0x1a2: {  	[sflag:s17] =	ssyncadd.s32 $0xFFFF4000  }
0x1a3: {  	_ =	swait.ge [sflag:s17], $0x2000  }
0x1a4: {  	[sflag:s17] =	ssyncset.done $0x0  }
0x1a5: {  	s9 =	sadd.s32 $0xFFFFFFFF, s9;
	[sflag:s17] =	ssyncadd.s32 $0xFFFFE000  }
0x1a6: {  	_ =	sfence.sel $0x180000  }
0x1a7: {  	[bflag:$0x0] =	sbarrier.arrive $0xFFFF  }
0x1a8: {  	_ =	strace $0x90000047  }
0x1a9: {  	s0 =	stileid.u32;
	[bflag:$0x2] =	sbarrier.arrive $0xFFFF  }
0x1aa: {  	p0 =	sne.s32 s0, $0x0;
	s0 =	rddreg [dreg:$0x4]  }
0x1ab: {  	s0 =	sadd.s32 @!p0 $0x100000, s0  }
0x1ac: {  	[sflag:s0] =	ssyncadd.tile.s32 @!p0 $0x1;
	_ =	shalt  }
.Lfunc_end2:
_tile_overlayer_lowered:
.L_overlay_start_2:
0x1ad: {  	(tag) =	ssettag $0x2  }
0x1ae: {  	s0 =	rddreg [dreg:$0x0];
	s2 =	stileid.u32  }
0x1af: {  	s1 =	rddreg [dreg:$0x1];
	p0 =	sne.s32 s2, $0x0  }
0x1b0: {  	s3 =	rddreg [dreg:$0x2];
	[bflag:$0x3] =	sbarrier.arrive $0xFFFF;
	s2 =	simm.s32 @!p0 $0x1C02  }
0x1b1: {  	[timem:s3], [sflag:s2] =	dma.local @!p0 [hbm:s0], s1  }
0x1b2: {  	s0 =	simm.s32 @!p0 $0x2  }
0x1b3: {  	_ =	swait.ge @!p0 [sflag:s0], s1  }
0x1b4: {  	s1 =	ssub.s32 @!p0 $0x0, s1;
	[sflag:s0] =	ssyncset.done @!p0 $0x0  }
0x1b5: {  	[sflag:s0] =	ssyncadd.s32 @!p0 s1  }
0x1b6: {  	[bflag:$0x3] =	sbarrier.arrive $0xFFFF  }
0x1b7: {  	_ =	shalt  }

</sc_bundles>
